<compile_context>
chip_gen: v7x
topology: tpu7x:2x2x1
jax: 0.10.2.dev20260603
libtpu: 0.0.44.dev20260713+nightly
codegen_flags: <defaults>
</compile_context>

<pallas_src>
import jax
import jax.numpy as jnp
from jax import lax
from jax.experimental import pallas as pl
from jax.experimental.pallas import tpu as pltpu
from jax.experimental.pallas import tpu_sc as plsc

VOCAB_SIZES = [99991, 100003, 100019, 100043, 100049, 100057, 100069, 100103]
H = len(VOCAB_SIZES)
D = 64
B, S = 4, 2048
N = B * S * H

_off = []
_acc = 0
for _v in VOCAB_SIZES:
    _off.append(_acc)
    _acc += _v
OFF16 = tuple(_off * 2)

NC, NS, L = 2, 16, 16
NW = NC * NS
PER_W = N // NW
CHUNK = 128
NCHUNK = PER_W // CHUNK

NBUF = 4
DEPTH = 2


def _body(ids_hbm, table_hbm, off_hbm, out_hbm, stag_v, bufs_v, off_v, *sems):
    gsems = sems[:NBUF]
    wsems = sems[NBUF:]
    wid = lax.axis_index("s") * NC + lax.axis_index("c")
    base = wid * PER_W
    ob = wid // (NW // B)
    or0 = (wid % (NW // B)) * PER_W

    pltpu.sync_copy(ids_hbm.at[pl.ds(base, PER_W)], stag_v)

    pltpu.sync_copy(off_hbm, off_v)
    off = off_v[...]

    def add_step(k, _):
        sl = pl.ds(k * L, L)
        stag_v[sl] = stag_v[sl] + off
        return 0

    lax.fori_loop(0, PER_W // L, add_step, 0)

    g = [None] * NCHUNK
    w = [None] * NCHUNK

    def retire(j):
        g[j].wait()
        w[j] = pltpu.async_copy(
            bufs_v.at[j % NBUF],
            out_hbm.at[ob, pl.ds(or0 + j * CHUNK, CHUNK)],
            wsems[j % NBUF],
        )

    for j in range(NCHUNK):
        bi = j % NBUF
        if j >= NBUF:
            w[j - NBUF].wait()
        g[j] = pltpu.async_copy(
            table_hbm.at[stag_v.at[pl.ds(j * CHUNK, CHUNK)]],
            bufs_v.at[bi],
            gsems[bi],
        )
        if j >= DEPTH:
            retire(j - DEPTH)
    for j in range(NCHUNK - DEPTH, NCHUNK):
        retire(j)
    for j in range(NCHUNK - NBUF, NCHUNK):
        w[j].wait()


@jax.jit
def kernel(input_ids, table):
    ids1d = input_ids.reshape(N)
    off16 = jnp.asarray(OFF16, dtype=jnp.int32)
    mesh = plsc.VectorSubcoreMesh(core_axis_name="c", subcore_axis_name="s")
    out = pl.kernel(
        _body,
        mesh=mesh,
        out_type=jax.ShapeDtypeStruct((B, S * H, D), jnp.float32),
        compiler_params=pltpu.CompilerParams(use_tc_tiling_on_sc=False),
        scratch_types=[
            pltpu.VMEM((PER_W,), jnp.int32),
            pltpu.VMEM((NBUF, CHUNK, D), jnp.float32),
            pltpu.VMEM((L,), jnp.int32),
        ]
        + [pltpu.SemaphoreType.DMA] * (2 * NBUF),
    )(ids1d, table, off16)
    return out.reshape(B, S, H, D)

# --- scband reference (transcript-rebuilt; emitter-appended) ---
"""Pipeline reference for scband-multi-head-embedding-52458730554008 (READ-ONLY COPY).

The authoritative reference and input builder live on the scoring server;
editing this copy changes nothing except your own understanding.
"""

import jax, jax.numpy as jnp
import numpy as np

VOCAB_SIZES = [99991, 100003, 100019, 100043, 100049, 100057, 100069, 100103]
HEAD_DIM = 64
B, S = 4, 2048
H = len(VOCAB_SIZES)
TOTAL_VOCAB = sum(VOCAB_SIZES)
OFFSETS = jnp.array(np.cumsum([0] + VOCAB_SIZES[:-1]), dtype=jnp.int32)


def setup_inputs(seed: int = 0) -> dict:
    key = jax.random.key(seed)
    k_ids, k_tab = jax.random.split(key)
    # hashed indices per head, each valid for the smallest head vocab (99991)
    input_ids = jax.random.randint(k_ids, (B, S, H), 0, 99991, dtype=jnp.int32)
    # flattened embedding table over all heads
    table = jax.random.normal(k_tab, (TOTAL_VOCAB, HEAD_DIM), dtype=jnp.float32) * 0.02
    return {"input_ids": input_ids, "table": table}


def reference(input_ids, table):
    # shift per-head local indices into the flattened table coordinate space
    shifted_ids = input_ids + OFFSETS  # (B, S, H) + (H,) -> (B, S, H)
    # embedding lookup: gather rows of the flattened table
    embeddings = jnp.take(table, shifted_ids, axis=0)  # (B, S, H, D_head)
    return embeddings

if __name__ == "__main__":
    import jax
    _d = setup_inputs()
    print(jax.jit(kernel)(*tuple(_d.values())))

</pallas_src>

<mosaic_0001>
#map = affine_map<(d0, d1) -> (0)>
#map1 = affine_map<(d0, d1) -> (0, 0)>
#map2 = affine_map<(d0, d1) -> (0, 0, 0)>
module attributes {stable_mosaic.version = 14 : i64} {
  func.func @_body(%arg0: i32, %arg1: i32, %arg2: memref<65536xi32, #tpu.memory_space<hbm>>, %arg3: memref<800334x64xf32, #tpu.memory_space<hbm>>, %arg4: memref<16xi32, #tpu.memory_space<hbm>>, %arg5: memref<4x16384x64xf32, #tpu.memory_space<hbm>>, %arg6: memref<2048xi32, #tpu.memory_space<vmem>>, %arg7: memref<4x128x64xf32, #tpu.memory_space<vmem>>, %arg8: memref<16xi32, #tpu.memory_space<vmem>>, %arg9: memref<!tpu.dma_semaphore, #tpu.memory_space<semaphore_mem>>, %arg10: memref<!tpu.dma_semaphore, #tpu.memory_space<semaphore_mem>>, %arg11: memref<!tpu.dma_semaphore, #tpu.memory_space<semaphore_mem>>, %arg12: memref<!tpu.dma_semaphore, #tpu.memory_space<semaphore_mem>>, %arg13: memref<!tpu.dma_semaphore, #tpu.memory_space<semaphore_mem>>, %arg14: memref<!tpu.dma_semaphore, #tpu.memory_space<semaphore_mem>>, %arg15: memref<!tpu.dma_semaphore, #tpu.memory_space<semaphore_mem>>, %arg16: memref<!tpu.dma_semaphore, #tpu.memory_space<semaphore_mem>>) attributes {dimension_semantics = [#tpu.dimension_semantics<core_parallel>, #tpu.dimension_semantics<subcore_parallel>], iteration_bounds = array<i64: 2, 16>, scalar_prefetch = 0 : i64, scratch_operands = 11 : i64, tpu.core_type = #tpu.core_type<sc_vector_subcore>, window_params = [{transform_indices = #map}, {transform_indices = #map1}, {transform_indices = #map}, {transform_indices = #map2}]} {
    %mul3A = arith.constant 2 : i32
    %mul3A_0 = arith.muli %arg1, %mul3A : i32
    %add3A = arith.addi %mul3A_0, %arg0 : i32
    %mul3A_1 = arith.constant 2048 : i32
    %mul3A_2 = arith.muli %add3A, %mul3A_1 : i32
    %jit3A = arith.constant 8 : i32
    %div3A = arith.divsi %add3A, %jit3A : i32
    %sign3A = arith.constant 0 : i32
    %sign3A_3 = arith.cmpi sgt, %add3A, %sign3A : i32
    %sign3A_4 = arith.extui %sign3A_3 : i1 to i32
    %sign3A_5 = arith.constant 0 : i32
    %sign3A_6 = arith.cmpi slt, %add3A, %sign3A_5 : i32
    %sign3A_7 = arith.extui %sign3A_6 : i1 to i32
    %sign3A_8 = arith.subi %sign3A_4, %sign3A_7 : i32
    %sign3A_9 = arith.constant 0 : i32
    %sign3A_10 = arith.cmpi sgt, %jit3A, %sign3A_9 : i32
    %sign3A_11 = arith.extui %sign3A_10 : i1 to i32
    %sign3A_12 = arith.constant 0 : i32
    %sign3A_13 = arith.cmpi slt, %jit3A, %sign3A_12 : i32
    %sign3A_14 = arith.extui %sign3A_13 : i1 to i32
    %sign3A_15 = arith.subi %sign3A_11, %sign3A_14 : i32
    %ne3A = arith.cmpi ne, %sign3A_8, %sign3A_15 : i32
    %rem3A = arith.remsi %add3A, %jit3A : i32
    %ne3A_16 = arith.constant 0 : i32
    %ne3A_17 = arith.cmpi ne, %rem3A, %ne3A_16 : i32
    %and3A = arith.andi %ne3A, %ne3A_17 : i1
    %sub3A = arith.constant 1 : i32
    %sub3A_18 = arith.subi %div3A, %sub3A : i32
    %select_n3A = arith.select %and3A, %sub3A_18, %div3A : i32
    %jit3A_19 = arith.constant 8 : i32
    %eq3A = arith.constant 0 : i32
    %eq3A_20 = arith.cmpi eq, %jit3A_19, %eq3A : i32
    %jit3A_21 = arith.constant 1 : i32
    %select_n3A_22 = arith.select %eq3A_20, %jit3A_21, %jit3A_19 : i32
    %rem3A_23 = arith.remsi %add3A, %select_n3A_22 : i32
    %ne3A_24 = arith.constant 0 : i32
    %ne3A_25 = arith.cmpi ne, %rem3A_23, %ne3A_24 : i32
    %lt3A = arith.constant 0 : i32
    %lt3A_26 = arith.cmpi slt, %rem3A_23, %lt3A : i32
    %lt3A_27 = arith.constant 0 : i32
    %lt3A_28 = arith.cmpi slt, %select_n3A_22, %lt3A_27 : i32
    %ne3A_29 = arith.xori %lt3A_26, %lt3A_28 : i1
    %and3A_30 = arith.andi %ne3A_29, %ne3A_25 : i1
    %add3A_31 = arith.addi %rem3A_23, %select_n3A_22 : i32
    %select_n3A_32 = arith.select %and3A_30, %add3A_31, %rem3A_23 : i32
    %mul3A_33 = arith.constant 2048 : i32
    %mul3A_34 = arith.muli %select_n3A_32, %mul3A_33 : i32
    "tpu.region"() ({
      %run_scoped3A = tpu.sem_alloc : memref<!tpu.dma_semaphore, #tpu.memory_space<semaphore_mem>>
      %dma_start3A_873 = tpu.memref_slice %arg2[%mul3A_2] : memref<65536xi32, #tpu.memory_space<hbm>> -> memref<2048xi32, #tpu.memory_space<hbm>>
      %dma_start3A_874 = tpu.memref_slice %arg2[%mul3A_2] : memref<65536xi32, #tpu.memory_space<hbm>> -> memref<2048xi32, #tpu.memory_space<hbm>>
      tpu.enqueue_dma source(%dma_start3A_874 : memref<2048xi32, #tpu.memory_space<hbm>>) target(%arg6 : memref<2048xi32, #tpu.memory_space<vmem>>) target_semaphore(%run_scoped3A : memref<!tpu.dma_semaphore, #tpu.memory_space<semaphore_mem>>)
      %dma_wait3A_875 = tpu.memref_slice %arg2[%mul3A_2] : memref<65536xi32, #tpu.memory_space<hbm>> -> memref<2048xi32, #tpu.memory_space<hbm>>
      %dma_wait3A_876 = tpu.memref_slice %arg2[%mul3A_2] : memref<65536xi32, #tpu.memory_space<hbm>> -> memref<2048xi32, #tpu.memory_space<hbm>>
      tpu.wait_dma2 semaphore(%run_scoped3A : memref<!tpu.dma_semaphore, #tpu.memory_space<semaphore_mem>>) src(%dma_wait3A_876 : memref<2048xi32, #tpu.memory_space<hbm>>) dst(%arg6 : memref<2048xi32, #tpu.memory_space<vmem>>)
      tpu.yield
    }) : () -> ()
    "tpu.region"() ({
      %run_scoped3A = tpu.sem_alloc : memref<!tpu.dma_semaphore, #tpu.memory_space<semaphore_mem>>
      tpu.enqueue_dma source(%arg4 : memref<16xi32, #tpu.memory_space<hbm>>) target(%arg8 : memref<16xi32, #tpu.memory_space<vmem>>) target_semaphore(%run_scoped3A : memref<!tpu.dma_semaphore, #tpu.memory_space<semaphore_mem>>)
      tpu.wait_dma2 semaphore(%run_scoped3A : memref<!tpu.dma_semaphore, #tpu.memory_space<semaphore_mem>>) src(%arg4 : memref<16xi32, #tpu.memory_space<hbm>>) dst(%arg8 : memref<16xi32, #tpu.memory_space<vmem>>)
      tpu.yield
    }) : () -> ()
    %get3A = arith.constant 0 : index
    %get3A_35 = tpu.vector_load %arg8[%get3A] {strides = array<i32>} : memref<16xi32, #tpu.memory_space<vmem>>, vector<16xi32>,
    %get3A_36 = vector.shape_cast %get3A_35 : vector<16xi32> to vector<16xi32>
    %scan3A = arith.constant 0 : i32
    %scan3A_37 = arith.constant 0 : i32
    %scan3A_38 = arith.constant 128 : i32
    %scan3A_39 = arith.addi %scan3A_37, %scan3A_38 : i32
    %scan3A_40 = arith.constant 1 : i32
    %scan3A_41 = scf.for %scan3A_873 = %scan3A_37 to %scan3A_39 step %scan3A_40 iter_args(%scan3A_874 = %scan3A) -> (i32)  : i32 {
      %mul3A_875 = arith.constant 16 : i32
      %mul3A_876 = arith.muli %scan3A_873, %mul3A_875 : i32
      %get3A_877 = arith.index_cast %mul3A_876 : i32 to index
      %get3A_878 = tpu.vector_load %arg6[%get3A_877] {strides = array<i32>} : memref<2048xi32, #tpu.memory_space<vmem>>, vector<16xi32>,
      %get3A_879 = vector.shape_cast %get3A_878 : vector<16xi32> to vector<16xi32>
      %add3A_880 = arith.addi %get3A_879, %get3A_36 : vector<16xi32>
      %swap3A = arith.index_cast %mul3A_876 : i32 to index
      %swap3A_881 = tpu.vector_load %arg6[%swap3A] {strides = array<i32>} : memref<2048xi32, #tpu.memory_space<vmem>>, vector<16xi32>,
      %swap3A_882 = vector.shape_cast %swap3A_881 : vector<16xi32> to vector<16xi32>
      %swap3A_883 = vector.shape_cast %add3A_880 : vector<16xi32> to vector<16xi32>
      tpu.vector_store %arg6[%swap3A], %swap3A_883 {strides = array<i32>} : memref<2048xi32, #tpu.memory_space<vmem>>, vector<16xi32>,
      %scan3A_884 = arith.constant 0 : i32
      scf.yield %scan3A_884 : i32
    }
    %scan3A_42 = arith.constant 128 : i32
    %dma_start3A = arith.constant 0 : i32
    %dma_start3A_43 = arith.constant 0 : i32
    %dma_start3A_44 = arith.constant 0 : i32
    %dma_start3A_45 = tpu.memref_slice %arg7[%dma_start3A, %dma_start3A_43, %dma_start3A_44] : memref<4x128x64xf32, #tpu.memory_space<vmem>> -> memref<1x128x64xf32, #tpu.memory_space<vmem>>
    %dma_start3A_46 = tpu.memref_squeeze %dma_start3A_45 : memref<1x128x64xf32, #tpu.memory_space<vmem>> -> memref<128x64xf32, #tpu.memory_space<vmem>>
    %dma_start3A_47 = arith.constant 0 : i32
    %dma_start3A_48 = tpu.memref_slice %arg6[%dma_start3A_47] : memref<2048xi32, #tpu.memory_space<vmem>> -> memref<128xi32, #tpu.memory_space<vmem>>
    %dma_start3A_49 = arith.constant 0 : i32
    %dma_start3A_50 = arith.constant 0 : i32
    %dma_start3A_51 = tpu.memref_slice %arg3[%dma_start3A_49, %dma_start3A_50] : memref<800334x64xf32, #tpu.memory_space<hbm>> -> memref<800334x64xf32, #tpu.memory_space<hbm>>
    tpu.enqueue_indirect_dma source(%dma_start3A_51 : memref<800334x64xf32, #tpu.memory_space<hbm>>) target(%dma_start3A_46 : memref<128x64xf32, #tpu.memory_space<vmem>>) offsets(%dma_start3A_48 : memref<128xi32, #tpu.memory_space<vmem>>) semaphore(%arg9 : memref<!tpu.dma_semaphore, #tpu.memory_space<semaphore_mem>>)
    %dma_start3A_52 = arith.constant 1 : i32
    %dma_start3A_53 = arith.constant 0 : i32
    %dma_start3A_54 = arith.constant 0 : i32
    %dma_start3A_55 = tpu.memref_slice %arg7[%dma_start3A_52, %dma_start3A_53, %dma_start3A_54] : memref<4x128x64xf32, #tpu.memory_space<vmem>> -> memref<1x128x64xf32, #tpu.memory_space<vmem>>
    %dma_start3A_56 = tpu.memref_squeeze %dma_start3A_55 : memref<1x128x64xf32, #tpu.memory_space<vmem>> -> memref<128x64xf32, #tpu.memory_space<vmem>>
    %dma_start3A_57 = arith.constant 128 : i32
    %dma_start3A_58 = tpu.memref_slice %arg6[%dma_start3A_57] : memref<2048xi32, #tpu.memory_space<vmem>> -> memref<128xi32, #tpu.memory_space<vmem>>
    %dma_start3A_59 = arith.constant 0 : i32
    %dma_start3A_60 = arith.constant 0 : i32
    %dma_start3A_61 = tpu.memref_slice %arg3[%dma_start3A_59, %dma_start3A_60] : memref<800334x64xf32, #tpu.memory_space<hbm>> -> memref<800334x64xf32, #tpu.memory_space<hbm>>
    tpu.enqueue_indirect_dma source(%dma_start3A_61 : memref<800334x64xf32, #tpu.memory_space<hbm>>) target(%dma_start3A_56 : memref<128x64xf32, #tpu.memory_space<vmem>>) offsets(%dma_start3A_58 : memref<128xi32, #tpu.memory_space<vmem>>) semaphore(%arg10 : memref<!tpu.dma_semaphore, #tpu.memory_space<semaphore_mem>>)
    %dma_start3A_62 = arith.constant 2 : i32
    %dma_start3A_63 = arith.constant 0 : i32
    %dma_start3A_64 = arith.constant 0 : i32
    %dma_start3A_65 = tpu.memref_slice %arg7[%dma_start3A_62, %dma_start3A_63, %dma_start3A_64] : memref<4x128x64xf32, #tpu.memory_space<vmem>> -> memref<1x128x64xf32, #tpu.memory_space<vmem>>
    %dma_start3A_66 = tpu.memref_squeeze %dma_start3A_65 : memref<1x128x64xf32, #tpu.memory_space<vmem>> -> memref<128x64xf32, #tpu.memory_space<vmem>>
    %dma_start3A_67 = arith.constant 256 : i32
    %dma_start3A_68 = tpu.memref_slice %arg6[%dma_start3A_67] : memref<2048xi32, #tpu.memory_space<vmem>> -> memref<128xi32, #tpu.memory_space<vmem>>
    %dma_start3A_69 = arith.constant 0 : i32
    %dma_start3A_70 = arith.constant 0 : i32
    %dma_start3A_71 = tpu.memref_slice %arg3[%dma_start3A_69, %dma_start3A_70] : memref<800334x64xf32, #tpu.memory_space<hbm>> -> memref<800334x64xf32, #tpu.memory_space<hbm>>
    tpu.enqueue_indirect_dma source(%dma_start3A_71 : memref<800334x64xf32, #tpu.memory_space<hbm>>) target(%dma_start3A_66 : memref<128x64xf32, #tpu.memory_space<vmem>>) offsets(%dma_start3A_68 : memref<128xi32, #tpu.memory_space<vmem>>) semaphore(%arg11 : memref<!tpu.dma_semaphore, #tpu.memory_space<semaphore_mem>>)
    %dma_wait3A = arith.constant 0 : i32
    %dma_wait3A_72 = arith.constant 0 : i32
    %dma_wait3A_73 = arith.constant 0 : i32
    %dma_wait3A_74 = tpu.memref_slice %arg7[%dma_wait3A, %dma_wait3A_72, %dma_wait3A_73] : memref<4x128x64xf32, #tpu.memory_space<vmem>> -> memref<1x128x64xf32, #tpu.memory_space<vmem>>
    %dma_wait3A_75 = tpu.memref_squeeze %dma_wait3A_74 : memref<1x128x64xf32, #tpu.memory_space<vmem>> -> memref<128x64xf32, #tpu.memory_space<vmem>>
    %dma_wait3A_76 = arith.constant 0 : i32
    %dma_wait3A_77 = tpu.memref_slice %arg6[%dma_wait3A_76] : memref<2048xi32, #tpu.memory_space<vmem>> -> memref<128xi32, #tpu.memory_space<vmem>>
    %dma_wait3A_78 = arith.constant 0 : i32
    %dma_wait3A_79 = arith.constant 0 : i32
    %dma_wait3A_80 = tpu.memref_slice %arg3[%dma_wait3A_78, %dma_wait3A_79] : memref<800334x64xf32, #tpu.memory_space<hbm>> -> memref<800334x64xf32, #tpu.memory_space<hbm>>
    tpu.wait_indirect_dma semaphore(%arg9 : memref<!tpu.dma_semaphore, #tpu.memory_space<semaphore_mem>>) src(%dma_wait3A_80 : memref<800334x64xf32, #tpu.memory_space<hbm>>) dst(%dma_wait3A_75 : memref<128x64xf32, #tpu.memory_space<vmem>>)
    %add3A_81 = arith.constant 0 : i32
    %add3A_82 = arith.addi %mul3A_34, %add3A_81 : i32
    %dma_start3A_83 = arith.constant 0 : i32
    %dma_start3A_84 = arith.constant 0 : i32
    %dma_start3A_85 = arith.constant 0 : i32
    %dma_start3A_86 = tpu.memref_slice %arg7[%dma_start3A_83, %dma_start3A_84, %dma_start3A_85] : memref<4x128x64xf32, #tpu.memory_space<vmem>> -> memref<1x128x64xf32, #tpu.memory_space<vmem>>
    %dma_start3A_87 = tpu.memref_squeeze %dma_start3A_86 : memref<1x128x64xf32, #tpu.memory_space<vmem>> -> memref<128x64xf32, #tpu.memory_space<vmem>>
    %dma_start3A_88 = arith.constant 0 : i32
    %dma_start3A_89 = tpu.memref_slice %arg5[%select_n3A, %add3A_82, %dma_start3A_88] : memref<4x16384x64xf32, #tpu.memory_space<hbm>> -> memref<1x128x64xf32, #tpu.memory_space<hbm>>
    %dma_start3A_90 = tpu.memref_squeeze %dma_start3A_89 : memref<1x128x64xf32, #tpu.memory_space<hbm>> -> memref<128x64xf32, #tpu.memory_space<hbm>>
    %dma_start3A_91 = arith.constant 0 : i32
    %dma_start3A_92 = tpu.memref_slice %arg5[%select_n3A, %add3A_82, %dma_start3A_91] : memref<4x16384x64xf32, #tpu.memory_space<hbm>> -> memref<1x128x64xf32, #tpu.memory_space<hbm>>
    %dma_start3A_93 = tpu.memref_squeeze %dma_start3A_92 : memref<1x128x64xf32, #tpu.memory_space<hbm>> -> memref<128x64xf32, #tpu.memory_space<hbm>>
    %dma_start3A_94 = arith.constant 0 : i32
    %dma_start3A_95 = arith.constant 0 : i32
    %dma_start3A_96 = tpu.memref_slice %arg7[%dma_start3A_83, %dma_start3A_94, %dma_start3A_95] : memref<4x128x64xf32, #tpu.memory_space<vmem>> -> memref<1x128x64xf32, #tpu.memory_space<vmem>>
    %dma_start3A_97 = tpu.memref_squeeze %dma_start3A_96 : memref<1x128x64xf32, #tpu.memory_space<vmem>> -> memref<128x64xf32, #tpu.memory_space<vmem>>
    tpu.enqueue_dma source(%dma_start3A_97 : memref<128x64xf32, #tpu.memory_space<vmem>>) target(%dma_start3A_93 : memref<128x64xf32, #tpu.memory_space<hbm>>) target_semaphore(%arg13 : memref<!tpu.dma_semaphore, #tpu.memory_space<semaphore_mem>>)
    %dma_start3A_98 = arith.constant 3 : i32
    %dma_start3A_99 = arith.constant 0 : i32
    %dma_start3A_100 = arith.constant 0 : i32
    %dma_start3A_101 = tpu.memref_slice %arg7[%dma_start3A_98, %dma_start3A_99, %dma_start3A_100] : memref<4x128x64xf32, #tpu.memory_space<vmem>> -> memref<1x128x64xf32, #tpu.memory_space<vmem>>
    %dma_start3A_102 = tpu.memref_squeeze %dma_start3A_101 : memref<1x128x64xf32, #tpu.memory_space<vmem>> -> memref<128x64xf32, #tpu.memory_space<vmem>>
    %dma_start3A_103 = arith.constant 384 : i32
    %dma_start3A_104 = tpu.memref_slice %arg6[%dma_start3A_103] : memref<2048xi32, #tpu.memory_space<vmem>> -> memref<128xi32, #tpu.memory_space<vmem>>
    %dma_start3A_105 = arith.constant 0 : i32
    %dma_start3A_106 = arith.constant 0 : i32
    %dma_start3A_107 = tpu.memref_slice %arg3[%dma_start3A_105, %dma_start3A_106] : memref<800334x64xf32, #tpu.memory_space<hbm>> -> memref<800334x64xf32, #tpu.memory_space<hbm>>
    tpu.enqueue_indirect_dma source(%dma_start3A_107 : memref<800334x64xf32, #tpu.memory_space<hbm>>) target(%dma_start3A_102 : memref<128x64xf32, #tpu.memory_space<vmem>>) offsets(%dma_start3A_104 : memref<128xi32, #tpu.memory_space<vmem>>) semaphore(%arg12 : memref<!tpu.dma_semaphore, #tpu.memory_space<semaphore_mem>>)
    %dma_wait3A_108 = arith.constant 1 : i32
    %dma_wait3A_109 = arith.constant 0 : i32
    %dma_wait3A_110 = arith.constant 0 : i32
    %dma_wait3A_111 = tpu.memref_slice %arg7[%dma_wait3A_108, %dma_wait3A_109, %dma_wait3A_110] : memref<4x128x64xf32, #tpu.memory_space<vmem>> -> memref<1x128x64xf32, #tpu.memory_space<vmem>>
    %dma_wait3A_112 = tpu.memref_squeeze %dma_wait3A_111 : memref<1x128x64xf32, #tpu.memory_space<vmem>> -> memref<128x64xf32, #tpu.memory_space<vmem>>
    %dma_wait3A_113 = arith.constant 128 : i32
    %dma_wait3A_114 = tpu.memref_slice %arg6[%dma_wait3A_113] : memref<2048xi32, #tpu.memory_space<vmem>> -> memref<128xi32, #tpu.memory_space<vmem>>
    %dma_wait3A_115 = arith.constant 0 : i32
    %dma_wait3A_116 = arith.constant 0 : i32
    %dma_wait3A_117 = tpu.memref_slice %arg3[%dma_wait3A_115, %dma_wait3A_116] : memref<800334x64xf32, #tpu.memory_space<hbm>> -> memref<800334x64xf32, #tpu.memory_space<hbm>>
    tpu.wait_indirect_dma semaphore(%arg10 : memref<!tpu.dma_semaphore, #tpu.memory_space<semaphore_mem>>) src(%dma_wait3A_117 : memref<800334x64xf32, #tpu.memory_space<hbm>>) dst(%dma_wait3A_112 : memref<128x64xf32, #tpu.memory_space<vmem>>)
    %add3A_118 = arith.constant 128 : i32
    %add3A_119 = arith.addi %mul3A_34, %add3A_118 : i32
    %dma_start3A_120 = arith.constant 1 : i32
    %dma_start3A_121 = arith.constant 0 : i32
    %dma_start3A_122 = arith.constant 0 : i32
    %dma_start3A_123 = tpu.memref_slice %arg7[%dma_start3A_120, %dma_start3A_121, %dma_start3A_122] : memref<4x128x64xf32, #tpu.memory_space<vmem>> -> memref<1x128x64xf32, #tpu.memory_space<vmem>>
    %dma_start3A_124 = tpu.memref_squeeze %dma_start3A_123 : memref<1x128x64xf32, #tpu.memory_space<vmem>> -> memref<128x64xf32, #tpu.memory_space<vmem>>
    %dma_start3A_125 = arith.constant 0 : i32
    %dma_start3A_126 = tpu.memref_slice %arg5[%select_n3A, %add3A_119, %dma_start3A_125] : memref<4x16384x64xf32, #tpu.memory_space<hbm>> -> memref<1x128x64xf32, #tpu.memory_space<hbm>>
    %dma_start3A_127 = tpu.memref_squeeze %dma_start3A_126 : memref<1x128x64xf32, #tpu.memory_space<hbm>> -> memref<128x64xf32, #tpu.memory_space<hbm>>
    %dma_start3A_128 = arith.constant 0 : i32
    %dma_start3A_129 = tpu.memref_slice %arg5[%select_n3A, %add3A_119, %dma_start3A_128] : memref<4x16384x64xf32, #tpu.memory_space<hbm>> -> memref<1x128x64xf32, #tpu.memory_space<hbm>>
    %dma_start3A_130 = tpu.memref_squeeze %dma_start3A_129 : memref<1x128x64xf32, #tpu.memory_space<hbm>> -> memref<128x64xf32, #tpu.memory_space<hbm>>
    %dma_start3A_131 = arith.constant 0 : i32
    %dma_start3A_132 = arith.constant 0 : i32
    %dma_start3A_133 = tpu.memref_slice %arg7[%dma_start3A_120, %dma_start3A_131, %dma_start3A_132] : memref<4x128x64xf32, #tpu.memory_space<vmem>> -> memref<1x128x64xf32, #tpu.memory_space<vmem>>
    %dma_start3A_134 = tpu.memref_squeeze %dma_start3A_133 : memref<1x128x64xf32, #tpu.memory_space<vmem>> -> memref<128x64xf32, #tpu.memory_space<vmem>>
    tpu.enqueue_dma source(%dma_start3A_134 : memref<128x64xf32, #tpu.memory_space<vmem>>) target(%dma_start3A_130 : memref<128x64xf32, #tpu.memory_space<hbm>>) target_semaphore(%arg14 : memref<!tpu.dma_semaphore, #tpu.memory_space<semaphore_mem>>)
    %dma_wait3A_135 = arith.constant 0 : i32
    %dma_wait3A_136 = arith.constant 0 : i32
    %dma_wait3A_137 = arith.constant 0 : i32
    %dma_wait3A_138 = tpu.memref_slice %arg7[%dma_wait3A_135, %dma_wait3A_136, %dma_wait3A_137] : memref<4x128x64xf32, #tpu.memory_space<vmem>> -> memref<1x128x64xf32, #tpu.memory_space<vmem>>
    %dma_wait3A_139 = tpu.memref_squeeze %dma_wait3A_138 : memref<1x128x64xf32, #tpu.memory_space<vmem>> -> memref<128x64xf32, #tpu.memory_space<vmem>>
    %dma_wait3A_140 = arith.constant 0 : i32
    %dma_wait3A_141 = tpu.memref_slice %arg5[%select_n3A, %add3A_82, %dma_wait3A_140] : memref<4x16384x64xf32, #tpu.memory_space<hbm>> -> memref<1x128x64xf32, #tpu.memory_space<hbm>>
    %dma_wait3A_142 = tpu.memref_squeeze %dma_wait3A_141 : memref<1x128x64xf32, #tpu.memory_space<hbm>> -> memref<128x64xf32, #tpu.memory_space<hbm>>
    %dma_wait3A_143 = arith.constant 0 : i32
    %dma_wait3A_144 = tpu.memref_slice %arg5[%select_n3A, %add3A_82, %dma_wait3A_143] : memref<4x16384x64xf32, #tpu.memory_space<hbm>> -> memref<1x128x64xf32, #tpu.memory_space<hbm>>
    %dma_wait3A_145 = tpu.memref_squeeze %dma_wait3A_144 : memref<1x128x64xf32, #tpu.memory_space<hbm>> -> memref<128x64xf32, #tpu.memory_space<hbm>>
    %dma_wait3A_146 = arith.constant 0 : i32
    %dma_wait3A_147 = arith.constant 0 : i32
    %dma_wait3A_148 = tpu.memref_slice %arg7[%dma_wait3A_135, %dma_wait3A_146, %dma_wait3A_147] : memref<4x128x64xf32, #tpu.memory_space<vmem>> -> memref<1x128x64xf32, #tpu.memory_space<vmem>>
    %dma_wait3A_149 = tpu.memref_squeeze %dma_wait3A_148 : memref<1x128x64xf32, #tpu.memory_space<vmem>> -> memref<128x64xf32, #tpu.memory_space<vmem>>
    tpu.wait_dma2 semaphore(%arg13 : memref<!tpu.dma_semaphore, #tpu.memory_space<semaphore_mem>>) src(%dma_wait3A_149 : memref<128x64xf32, #tpu.memory_space<vmem>>) dst(%dma_wait3A_145 : memref<128x64xf32, #tpu.memory_space<hbm>>)
    %dma_start3A_150 = arith.constant 0 : i32
    %dma_start3A_151 = arith.constant 0 : i32
    %dma_start3A_152 = arith.constant 0 : i32
    %dma_start3A_153 = tpu.memref_slice %arg7[%dma_start3A_150, %dma_start3A_151, %dma_start3A_152] : memref<4x128x64xf32, #tpu.memory_space<vmem>> -> memref<1x128x64xf32, #tpu.memory_space<vmem>>
    %dma_start3A_154 = tpu.memref_squeeze %dma_start3A_153 : memref<1x128x64xf32, #tpu.memory_space<vmem>> -> memref<128x64xf32, #tpu.memory_space<vmem>>
    %dma_start3A_155 = arith.constant 512 : i32
    %dma_start3A_156 = tpu.memref_slice %arg6[%dma_start3A_155] : memref<2048xi32, #tpu.memory_space<vmem>> -> memref<128xi32, #tpu.memory_space<vmem>>
    %dma_start3A_157 = arith.constant 0 : i32
    %dma_start3A_158 = arith.constant 0 : i32
    %dma_start3A_159 = tpu.memref_slice %arg3[%dma_start3A_157, %dma_start3A_158] : memref<800334x64xf32, #tpu.memory_space<hbm>> -> memref<800334x64xf32, #tpu.memory_space<hbm>>
    tpu.enqueue_indirect_dma source(%dma_start3A_159 : memref<800334x64xf32, #tpu.memory_space<hbm>>) target(%dma_start3A_154 : memref<128x64xf32, #tpu.memory_space<vmem>>) offsets(%dma_start3A_156 : memref<128xi32, #tpu.memory_space<vmem>>) semaphore(%arg9 : memref<!tpu.dma_semaphore, #tpu.memory_space<semaphore_mem>>)
    %dma_wait3A_160 = arith.constant 2 : i32
    %dma_wait3A_161 = arith.constant 0 : i32
    %dma_wait3A_162 = arith.constant 0 : i32
    %dma_wait3A_163 = tpu.memref_slice %arg7[%dma_wait3A_160, %dma_wait3A_161, %dma_wait3A_162] : memref<4x128x64xf32, #tpu.memory_space<vmem>> -> memref<1x128x64xf32, #tpu.memory_space<vmem>>
    %dma_wait3A_164 = tpu.memref_squeeze %dma_wait3A_163 : memref<1x128x64xf32, #tpu.memory_space<vmem>> -> memref<128x64xf32, #tpu.memory_space<vmem>>
    %dma_wait3A_165 = arith.constant 256 : i32
    %dma_wait3A_166 = tpu.memref_slice %arg6[%dma_wait3A_165] : memref<2048xi32, #tpu.memory_space<vmem>> -> memref<128xi32, #tpu.memory_space<vmem>>
    %dma_wait3A_167 = arith.constant 0 : i32
    %dma_wait3A_168 = arith.constant 0 : i32
    %dma_wait3A_169 = tpu.memref_slice %arg3[%dma_wait3A_167, %dma_wait3A_168] : memref<800334x64xf32, #tpu.memory_space<hbm>> -> memref<800334x64xf32, #tpu.memory_space<hbm>>
    tpu.wait_indirect_dma semaphore(%arg11 : memref<!tpu.dma_semaphore, #tpu.memory_space<semaphore_mem>>) src(%dma_wait3A_169 : memref<800334x64xf32, #tpu.memory_space<hbm>>) dst(%dma_wait3A_164 : memref<128x64xf32, #tpu.memory_space<vmem>>)
    %add3A_170 = arith.constant 256 : i32
    %add3A_171 = arith.addi %mul3A_34, %add3A_170 : i32
    %dma_start3A_172 = arith.constant 2 : i32
    %dma_start3A_173 = arith.constant 0 : i32
    %dma_start3A_174 = arith.constant 0 : i32
    %dma_start3A_175 = tpu.memref_slice %arg7[%dma_start3A_172, %dma_start3A_173, %dma_start3A_174] : memref<4x128x64xf32, #tpu.memory_space<vmem>> -> memref<1x128x64xf32, #tpu.memory_space<vmem>>
    %dma_start3A_176 = tpu.memref_squeeze %dma_start3A_175 : memref<1x128x64xf32, #tpu.memory_space<vmem>> -> memref<128x64xf32, #tpu.memory_space<vmem>>
    %dma_start3A_177 = arith.constant 0 : i32
    %dma_start3A_178 = tpu.memref_slice %arg5[%select_n3A, %add3A_171, %dma_start3A_177] : memref<4x16384x64xf32, #tpu.memory_space<hbm>> -> memref<1x128x64xf32, #tpu.memory_space<hbm>>
    %dma_start3A_179 = tpu.memref_squeeze %dma_start3A_178 : memref<1x128x64xf32, #tpu.memory_space<hbm>> -> memref<128x64xf32, #tpu.memory_space<hbm>>
    %dma_start3A_180 = arith.constant 0 : i32
    %dma_start3A_181 = tpu.memref_slice %arg5[%select_n3A, %add3A_171, %dma_start3A_180] : memref<4x16384x64xf32, #tpu.memory_space<hbm>> -> memref<1x128x64xf32, #tpu.memory_space<hbm>>
    %dma_start3A_182 = tpu.memref_squeeze %dma_start3A_181 : memref<1x128x64xf32, #tpu.memory_space<hbm>> -> memref<128x64xf32, #tpu.memory_space<hbm>>
    %dma_start3A_183 = arith.constant 0 : i32
    %dma_start3A_184 = arith.constant 0 : i32
    %dma_start3A_185 = tpu.memref_slice %arg7[%dma_start3A_172, %dma_start3A_183, %dma_start3A_184] : memref<4x128x64xf32, #tpu.memory_space<vmem>> -> memref<1x128x64xf32, #tpu.memory_space<vmem>>
    %dma_start3A_186 = tpu.memref_squeeze %dma_start3A_185 : memref<1x128x64xf32, #tpu.memory_space<vmem>> -> memref<128x64xf32, #tpu.memory_space<vmem>>
    tpu.enqueue_dma source(%dma_start3A_186 : memref<128x64xf32, #tpu.memory_space<vmem>>) target(%dma_start3A_182 : memref<128x64xf32, #tpu.memory_space<hbm>>) target_semaphore(%arg15 : memref<!tpu.dma_semaphore, #tpu.memory_space<semaphore_mem>>)
    %dma_wait3A_187 = arith.constant 1 : i32
    %dma_wait3A_188 = arith.constant 0 : i32
    %dma_wait3A_189 = arith.constant 0 : i32
    %dma_wait3A_190 = tpu.memref_slice %arg7[%dma_wait3A_187, %dma_wait3A_188, %dma_wait3A_189] : memref<4x128x64xf32, #tpu.memory_space<vmem>> -> memref<1x128x64xf32, #tpu.memory_space<vmem>>
    %dma_wait3A_191 = tpu.memref_squeeze %dma_wait3A_190 : memref<1x128x64xf32, #tpu.memory_space<vmem>> -> memref<128x64xf32, #tpu.memory_space<vmem>>
    %dma_wait3A_192 = arith.constant 0 : i32
    %dma_wait3A_193 = tpu.memref_slice %arg5[%select_n3A, %add3A_119, %dma_wait3A_192] : memref<4x16384x64xf32, #tpu.memory_space<hbm>> -> memref<1x128x64xf32, #tpu.memory_space<hbm>>
    %dma_wait3A_194 = tpu.memref_squeeze %dma_wait3A_193 : memref<1x128x64xf32, #tpu.memory_space<hbm>> -> memref<128x64xf32, #tpu.memory_space<hbm>>
    %dma_wait3A_195 = arith.constant 0 : i32
    %dma_wait3A_196 = tpu.memref_slice %arg5[%select_n3A, %add3A_119, %dma_wait3A_195] : memref<4x16384x64xf32, #tpu.memory_space<hbm>> -> memref<1x128x64xf32, #tpu.memory_space<hbm>>
    %dma_wait3A_197 = tpu.memref_squeeze %dma_wait3A_196 : memref<1x128x64xf32, #tpu.memory_space<hbm>> -> memref<128x64xf32, #tpu.memory_space<hbm>>
    %dma_wait3A_198 = arith.constant 0 : i32
    %dma_wait3A_199 = arith.constant 0 : i32
    %dma_wait3A_200 = tpu.memref_slice %arg7[%dma_wait3A_187, %dma_wait3A_198, %dma_wait3A_199] : memref<4x128x64xf32, #tpu.memory_space<vmem>> -> memref<1x128x64xf32, #tpu.memory_space<vmem>>
    %dma_wait3A_201 = tpu.memref_squeeze %dma_wait3A_200 : memref<1x128x64xf32, #tpu.memory_space<vmem>> -> memref<128x64xf32, #tpu.memory_space<vmem>>
    tpu.wait_dma2 semaphore(%arg14 : memref<!tpu.dma_semaphore, #tpu.memory_space<semaphore_mem>>) src(%dma_wait3A_201 : memref<128x64xf32, #tpu.memory_space<vmem>>) dst(%dma_wait3A_197 : memref<128x64xf32, #tpu.memory_space<hbm>>)
    %dma_start3A_202 = arith.constant 1 : i32
    %dma_start3A_203 = arith.constant 0 : i32
    %dma_start3A_204 = arith.constant 0 : i32
    %dma_start3A_205 = tpu.memref_slice %arg7[%dma_start3A_202, %dma_start3A_203, %dma_start3A_204] : memref<4x128x64xf32, #tpu.memory_space<vmem>> -> memref<1x128x64xf32, #tpu.memory_space<vmem>>
    %dma_start3A_206 = tpu.memref_squeeze %dma_start3A_205 : memref<1x128x64xf32, #tpu.memory_space<vmem>> -> memref<128x64xf32, #tpu.memory_space<vmem>>
    %dma_start3A_207 = arith.constant 640 : i32
    %dma_start3A_208 = tpu.memref_slice %arg6[%dma_start3A_207] : memref<2048xi32, #tpu.memory_space<vmem>> -> memref<128xi32, #tpu.memory_space<vmem>>
    %dma_start3A_209 = arith.constant 0 : i32
    %dma_start3A_210 = arith.constant 0 : i32
    %dma_start3A_211 = tpu.memref_slice %arg3[%dma_start3A_209, %dma_start3A_210] : memref<800334x64xf32, #tpu.memory_space<hbm>> -> memref<800334x64xf32, #tpu.memory_space<hbm>>
    tpu.enqueue_indirect_dma source(%dma_start3A_211 : memref<800334x64xf32, #tpu.memory_space<hbm>>) target(%dma_start3A_206 : memref<128x64xf32, #tpu.memory_space<vmem>>) offsets(%dma_start3A_208 : memref<128xi32, #tpu.memory_space<vmem>>) semaphore(%arg10 : memref<!tpu.dma_semaphore, #tpu.memory_space<semaphore_mem>>)
    %dma_wait3A_212 = arith.constant 3 : i32
    %dma_wait3A_213 = arith.constant 0 : i32
    %dma_wait3A_214 = arith.constant 0 : i32
    %dma_wait3A_215 = tpu.memref_slice %arg7[%dma_wait3A_212, %dma_wait3A_213, %dma_wait3A_214] : memref<4x128x64xf32, #tpu.memory_space<vmem>> -> memref<1x128x64xf32, #tpu.memory_space<vmem>>
    %dma_wait3A_216 = tpu.memref_squeeze %dma_wait3A_215 : memref<1x128x64xf32, #tpu.memory_space<vmem>> -> memref<128x64xf32, #tpu.memory_space<vmem>>
    %dma_wait3A_217 = arith.constant 384 : i32
    %dma_wait3A_218 = tpu.memref_slice %arg6[%dma_wait3A_217] : memref<2048xi32, #tpu.memory_space<vmem>> -> memref<128xi32, #tpu.memory_space<vmem>>
    %dma_wait3A_219 = arith.constant 0 : i32
    %dma_wait3A_220 = arith.constant 0 : i32
    %dma_wait3A_221 = tpu.memref_slice %arg3[%dma_wait3A_219, %dma_wait3A_220] : memref<800334x64xf32, #tpu.memory_space<hbm>> -> memref<800334x64xf32, #tpu.memory_space<hbm>>
    tpu.wait_indirect_dma semaphore(%arg12 : memref<!tpu.dma_semaphore, #tpu.memory_space<semaphore_mem>>) src(%dma_wait3A_221 : memref<800334x64xf32, #tpu.memory_space<hbm>>) dst(%dma_wait3A_216 : memref<128x64xf32, #tpu.memory_space<vmem>>)
    %add3A_222 = arith.constant 384 : i32
    %add3A_223 = arith.addi %mul3A_34, %add3A_222 : i32
    %dma_start3A_224 = arith.constant 3 : i32
    %dma_start3A_225 = arith.constant 0 : i32
    %dma_start3A_226 = arith.constant 0 : i32
    %dma_start3A_227 = tpu.memref_slice %arg7[%dma_start3A_224, %dma_start3A_225, %dma_start3A_226] : memref<4x128x64xf32, #tpu.memory_space<vmem>> -> memref<1x128x64xf32, #tpu.memory_space<vmem>>
    %dma_start3A_228 = tpu.memref_squeeze %dma_start3A_227 : memref<1x128x64xf32, #tpu.memory_space<vmem>> -> memref<128x64xf32, #tpu.memory_space<vmem>>
    %dma_start3A_229 = arith.constant 0 : i32
    %dma_start3A_230 = tpu.memref_slice %arg5[%select_n3A, %add3A_223, %dma_start3A_229] : memref<4x16384x64xf32, #tpu.memory_space<hbm>> -> memref<1x128x64xf32, #tpu.memory_space<hbm>>
    %dma_start3A_231 = tpu.memref_squeeze %dma_start3A_230 : memref<1x128x64xf32, #tpu.memory_space<hbm>> -> memref<128x64xf32, #tpu.memory_space<hbm>>
    %dma_start3A_232 = arith.constant 0 : i32
    %dma_start3A_233 = tpu.memref_slice %arg5[%select_n3A, %add3A_223, %dma_start3A_232] : memref<4x16384x64xf32, #tpu.memory_space<hbm>> -> memref<1x128x64xf32, #tpu.memory_space<hbm>>
    %dma_start3A_234 = tpu.memref_squeeze %dma_start3A_233 : memref<1x128x64xf32, #tpu.memory_space<hbm>> -> memref<128x64xf32, #tpu.memory_space<hbm>>
    %dma_start3A_235 = arith.constant 0 : i32
    %dma_start3A_236 = arith.constant 0 : i32
    %dma_start3A_237 = tpu.memref_slice %arg7[%dma_start3A_224, %dma_start3A_235, %dma_start3A_236] : memref<4x128x64xf32, #tpu.memory_space<vmem>> -> memref<1x128x64xf32, #tpu.memory_space<vmem>>
    %dma_start3A_238 = tpu.memref_squeeze %dma_start3A_237 : memref<1x128x64xf32, #tpu.memory_space<vmem>> -> memref<128x64xf32, #tpu.memory_space<vmem>>
    tpu.enqueue_dma source(%dma_start3A_238 : memref<128x64xf32, #tpu.memory_space<vmem>>) target(%dma_start3A_234 : memref<128x64xf32, #tpu.memory_space<hbm>>) target_semaphore(%arg16 : memref<!tpu.dma_semaphore, #tpu.memory_space<semaphore_mem>>)
    %dma_wait3A_239 = arith.constant 2 : i32
    %dma_wait3A_240 = arith.constant 0 : i32
    %dma_wait3A_241 = arith.constant 0 : i32
    %dma_wait3A_242 = tpu.memref_slice %arg7[%dma_wait3A_239, %dma_wait3A_240, %dma_wait3A_241] : memref<4x128x64xf32, #tpu.memory_space<vmem>> -> memref<1x128x64xf32, #tpu.memory_space<vmem>>
    %dma_wait3A_243 = tpu.memref_squeeze %dma_wait3A_242 : memref<1x128x64xf32, #tpu.memory_space<vmem>> -> memref<128x64xf32, #tpu.memory_space<vmem>>
    %dma_wait3A_244 = arith.constant 0 : i32
    %dma_wait3A_245 = tpu.memref_slice %arg5[%select_n3A, %add3A_171, %dma_wait3A_244] : memref<4x16384x64xf32, #tpu.memory_space<hbm>> -> memref<1x128x64xf32, #tpu.memory_space<hbm>>
    %dma_wait3A_246 = tpu.memref_squeeze %dma_wait3A_245 : memref<1x128x64xf32, #tpu.memory_space<hbm>> -> memref<128x64xf32, #tpu.memory_space<hbm>>
    %dma_wait3A_247 = arith.constant 0 : i32
    %dma_wait3A_248 = tpu.memref_slice %arg5[%select_n3A, %add3A_171, %dma_wait3A_247] : memref<4x16384x64xf32, #tpu.memory_space<hbm>> -> memref<1x128x64xf32, #tpu.memory_space<hbm>>
    %dma_wait3A_249 = tpu.memref_squeeze %dma_wait3A_248 : memref<1x128x64xf32, #tpu.memory_space<hbm>> -> memref<128x64xf32, #tpu.memory_space<hbm>>
    %dma_wait3A_250 = arith.constant 0 : i32
    %dma_wait3A_251 = arith.constant 0 : i32
    %dma_wait3A_252 = tpu.memref_slice %arg7[%dma_wait3A_239, %dma_wait3A_250, %dma_wait3A_251] : memref<4x128x64xf32, #tpu.memory_space<vmem>> -> memref<1x128x64xf32, #tpu.memory_space<vmem>>
    %dma_wait3A_253 = tpu.memref_squeeze %dma_wait3A_252 : memref<1x128x64xf32, #tpu.memory_space<vmem>> -> memref<128x64xf32, #tpu.memory_space<vmem>>
    tpu.wait_dma2 semaphore(%arg15 : memref<!tpu.dma_semaphore, #tpu.memory_space<semaphore_mem>>) src(%dma_wait3A_253 : memref<128x64xf32, #tpu.memory_space<vmem>>) dst(%dma_wait3A_249 : memref<128x64xf32, #tpu.memory_space<hbm>>)
    %dma_start3A_254 = arith.constant 2 : i32
    %dma_start3A_255 = arith.constant 0 : i32
    %dma_start3A_256 = arith.constant 0 : i32
    %dma_start3A_257 = tpu.memref_slice %arg7[%dma_start3A_254, %dma_start3A_255, %dma_start3A_256] : memref<4x128x64xf32, #tpu.memory_space<vmem>> -> memref<1x128x64xf32, #tpu.memory_space<vmem>>
    %dma_start3A_258 = tpu.memref_squeeze %dma_start3A_257 : memref<1x128x64xf32, #tpu.memory_space<vmem>> -> memref<128x64xf32, #tpu.memory_space<vmem>>
    %dma_start3A_259 = arith.constant 768 : i32
    %dma_start3A_260 = tpu.memref_slice %arg6[%dma_start3A_259] : memref<2048xi32, #tpu.memory_space<vmem>> -> memref<128xi32, #tpu.memory_space<vmem>>
    %dma_start3A_261 = arith.constant 0 : i32
    %dma_start3A_262 = arith.constant 0 : i32
    %dma_start3A_263 = tpu.memref_slice %arg3[%dma_start3A_261, %dma_start3A_262] : memref<800334x64xf32, #tpu.memory_space<hbm>> -> memref<800334x64xf32, #tpu.memory_space<hbm>>
    tpu.enqueue_indirect_dma source(%dma_start3A_263 : memref<800334x64xf32, #tpu.memory_space<hbm>>) target(%dma_start3A_258 : memref<128x64xf32, #tpu.memory_space<vmem>>) offsets(%dma_start3A_260 : memref<128xi32, #tpu.memory_space<vmem>>) semaphore(%arg11 : memref<!tpu.dma_semaphore, #tpu.memory_space<semaphore_mem>>)
    %dma_wait3A_264 = arith.constant 0 : i32
    %dma_wait3A_265 = arith.constant 0 : i32
    %dma_wait3A_266 = arith.constant 0 : i32
    %dma_wait3A_267 = tpu.memref_slice %arg7[%dma_wait3A_264, %dma_wait3A_265, %dma_wait3A_266] : memref<4x128x64xf32, #tpu.memory_space<vmem>> -> memref<1x128x64xf32, #tpu.memory_space<vmem>>
    %dma_wait3A_268 = tpu.memref_squeeze %dma_wait3A_267 : memref<1x128x64xf32, #tpu.memory_space<vmem>> -> memref<128x64xf32, #tpu.memory_space<vmem>>
    %dma_wait3A_269 = arith.constant 512 : i32
    %dma_wait3A_270 = tpu.memref_slice %arg6[%dma_wait3A_269] : memref<2048xi32, #tpu.memory_space<vmem>> -> memref<128xi32, #tpu.memory_space<vmem>>
    %dma_wait3A_271 = arith.constant 0 : i32
    %dma_wait3A_272 = arith.constant 0 : i32
    %dma_wait3A_273 = tpu.memref_slice %arg3[%dma_wait3A_271, %dma_wait3A_272] : memref<800334x64xf32, #tpu.memory_space<hbm>> -> memref<800334x64xf32, #tpu.memory_space<hbm>>
    tpu.wait_indirect_dma semaphore(%arg9 : memref<!tpu.dma_semaphore, #tpu.memory_space<semaphore_mem>>) src(%dma_wait3A_273 : memref<800334x64xf32, #tpu.memory_space<hbm>>) dst(%dma_wait3A_268 : memref<128x64xf32, #tpu.memory_space<vmem>>)
    %add3A_274 = arith.constant 512 : i32
    %add3A_275 = arith.addi %mul3A_34, %add3A_274 : i32
    %dma_start3A_276 = arith.constant 0 : i32
    %dma_start3A_277 = arith.constant 0 : i32
    %dma_start3A_278 = arith.constant 0 : i32
    %dma_start3A_279 = tpu.memref_slice %arg7[%dma_start3A_276, %dma_start3A_277, %dma_start3A_278] : memref<4x128x64xf32, #tpu.memory_space<vmem>> -> memref<1x128x64xf32, #tpu.memory_space<vmem>>
    %dma_start3A_280 = tpu.memref_squeeze %dma_start3A_279 : memref<1x128x64xf32, #tpu.memory_space<vmem>> -> memref<128x64xf32, #tpu.memory_space<vmem>>
    %dma_start3A_281 = arith.constant 0 : i32
    %dma_start3A_282 = tpu.memref_slice %arg5[%select_n3A, %add3A_275, %dma_start3A_281] : memref<4x16384x64xf32, #tpu.memory_space<hbm>> -> memref<1x128x64xf32, #tpu.memory_space<hbm>>
    %dma_start3A_283 = tpu.memref_squeeze %dma_start3A_282 : memref<1x128x64xf32, #tpu.memory_space<hbm>> -> memref<128x64xf32, #tpu.memory_space<hbm>>
    %dma_start3A_284 = arith.constant 0 : i32
    %dma_start3A_285 = tpu.memref_slice %arg5[%select_n3A, %add3A_275, %dma_start3A_284] : memref<4x16384x64xf32, #tpu.memory_space<hbm>> -> memref<1x128x64xf32, #tpu.memory_space<hbm>>
    %dma_start3A_286 = tpu.memref_squeeze %dma_start3A_285 : memref<1x128x64xf32, #tpu.memory_space<hbm>> -> memref<128x64xf32, #tpu.memory_space<hbm>>
    %dma_start3A_287 = arith.constant 0 : i32
    %dma_start3A_288 = arith.constant 0 : i32
    %dma_start3A_289 = tpu.memref_slice %arg7[%dma_start3A_276, %dma_start3A_287, %dma_start3A_288] : memref<4x128x64xf32, #tpu.memory_space<vmem>> -> memref<1x128x64xf32, #tpu.memory_space<vmem>>
    %dma_start3A_290 = tpu.memref_squeeze %dma_start3A_289 : memref<1x128x64xf32, #tpu.memory_space<vmem>> -> memref<128x64xf32, #tpu.memory_space<vmem>>
    tpu.enqueue_dma source(%dma_start3A_290 : memref<128x64xf32, #tpu.memory_space<vmem>>) target(%dma_start3A_286 : memref<128x64xf32, #tpu.memory_space<hbm>>) target_semaphore(%arg13 : memref<!tpu.dma_semaphore, #tpu.memory_space<semaphore_mem>>)
    %dma_wait3A_291 = arith.constant 3 : i32
    %dma_wait3A_292 = arith.constant 0 : i32
    %dma_wait3A_293 = arith.constant 0 : i32
    %dma_wait3A_294 = tpu.memref_slice %arg7[%dma_wait3A_291, %dma_wait3A_292, %dma_wait3A_293] : memref<4x128x64xf32, #tpu.memory_space<vmem>> -> memref<1x128x64xf32, #tpu.memory_space<vmem>>
    %dma_wait3A_295 = tpu.memref_squeeze %dma_wait3A_294 : memref<1x128x64xf32, #tpu.memory_space<vmem>> -> memref<128x64xf32, #tpu.memory_space<vmem>>
    %dma_wait3A_296 = arith.constant 0 : i32
    %dma_wait3A_297 = tpu.memref_slice %arg5[%select_n3A, %add3A_223, %dma_wait3A_296] : memref<4x16384x64xf32, #tpu.memory_space<hbm>> -> memref<1x128x64xf32, #tpu.memory_space<hbm>>
    %dma_wait3A_298 = tpu.memref_squeeze %dma_wait3A_297 : memref<1x128x64xf32, #tpu.memory_space<hbm>> -> memref<128x64xf32, #tpu.memory_space<hbm>>
    %dma_wait3A_299 = arith.constant 0 : i32
    %dma_wait3A_300 = tpu.memref_slice %arg5[%select_n3A, %add3A_223, %dma_wait3A_299] : memref<4x16384x64xf32, #tpu.memory_space<hbm>> -> memref<1x128x64xf32, #tpu.memory_space<hbm>>
    %dma_wait3A_301 = tpu.memref_squeeze %dma_wait3A_300 : memref<1x128x64xf32, #tpu.memory_space<hbm>> -> memref<128x64xf32, #tpu.memory_space<hbm>>
    %dma_wait3A_302 = arith.constant 0 : i32
    %dma_wait3A_303 = arith.constant 0 : i32
    %dma_wait3A_304 = tpu.memref_slice %arg7[%dma_wait3A_291, %dma_wait3A_302, %dma_wait3A_303] : memref<4x128x64xf32, #tpu.memory_space<vmem>> -> memref<1x128x64xf32, #tpu.memory_space<vmem>>
    %dma_wait3A_305 = tpu.memref_squeeze %dma_wait3A_304 : memref<1x128x64xf32, #tpu.memory_space<vmem>> -> memref<128x64xf32, #tpu.memory_space<vmem>>
    tpu.wait_dma2 semaphore(%arg16 : memref<!tpu.dma_semaphore, #tpu.memory_space<semaphore_mem>>) src(%dma_wait3A_305 : memref<128x64xf32, #tpu.memory_space<vmem>>) dst(%dma_wait3A_301 : memref<128x64xf32, #tpu.memory_space<hbm>>)
    %dma_start3A_306 = arith.constant 3 : i32
    %dma_start3A_307 = arith.constant 0 : i32
    %dma_start3A_308 = arith.constant 0 : i32
    %dma_start3A_309 = tpu.memref_slice %arg7[%dma_start3A_306, %dma_start3A_307, %dma_start3A_308] : memref<4x128x64xf32, #tpu.memory_space<vmem>> -> memref<1x128x64xf32, #tpu.memory_space<vmem>>
    %dma_start3A_310 = tpu.memref_squeeze %dma_start3A_309 : memref<1x128x64xf32, #tpu.memory_space<vmem>> -> memref<128x64xf32, #tpu.memory_space<vmem>>
    %dma_start3A_311 = arith.constant 896 : i32
    %dma_start3A_312 = tpu.memref_slice %arg6[%dma_start3A_311] : memref<2048xi32, #tpu.memory_space<vmem>> -> memref<128xi32, #tpu.memory_space<vmem>>
    %dma_start3A_313 = arith.constant 0 : i32
    %dma_start3A_314 = arith.constant 0 : i32
    %dma_start3A_315 = tpu.memref_slice %arg3[%dma_start3A_313, %dma_start3A_314] : memref<800334x64xf32, #tpu.memory_space<hbm>> -> memref<800334x64xf32, #tpu.memory_space<hbm>>
    tpu.enqueue_indirect_dma source(%dma_start3A_315 : memref<800334x64xf32, #tpu.memory_space<hbm>>) target(%dma_start3A_310 : memref<128x64xf32, #tpu.memory_space<vmem>>) offsets(%dma_start3A_312 : memref<128xi32, #tpu.memory_space<vmem>>) semaphore(%arg12 : memref<!tpu.dma_semaphore, #tpu.memory_space<semaphore_mem>>)
    %dma_wait3A_316 = arith.constant 1 : i32
    %dma_wait3A_317 = arith.constant 0 : i32
    %dma_wait3A_318 = arith.constant 0 : i32
    %dma_wait3A_319 = tpu.memref_slice %arg7[%dma_wait3A_316, %dma_wait3A_317, %dma_wait3A_318] : memref<4x128x64xf32, #tpu.memory_space<vmem>> -> memref<1x128x64xf32, #tpu.memory_space<vmem>>
    %dma_wait3A_320 = tpu.memref_squeeze %dma_wait3A_319 : memref<1x128x64xf32, #tpu.memory_space<vmem>> -> memref<128x64xf32, #tpu.memory_space<vmem>>
    %dma_wait3A_321 = arith.constant 640 : i32
    %dma_wait3A_322 = tpu.memref_slice %arg6[%dma_wait3A_321] : memref<2048xi32, #tpu.memory_space<vmem>> -> memref<128xi32, #tpu.memory_space<vmem>>
    %dma_wait3A_323 = arith.constant 0 : i32
    %dma_wait3A_324 = arith.constant 0 : i32
    %dma_wait3A_325 = tpu.memref_slice %arg3[%dma_wait3A_323, %dma_wait3A_324] : memref<800334x64xf32, #tpu.memory_space<hbm>> -> memref<800334x64xf32, #tpu.memory_space<hbm>>
    tpu.wait_indirect_dma semaphore(%arg10 : memref<!tpu.dma_semaphore, #tpu.memory_space<semaphore_mem>>) src(%dma_wait3A_325 : memref<800334x64xf32, #tpu.memory_space<hbm>>) dst(%dma_wait3A_320 : memref<128x64xf32, #tpu.memory_space<vmem>>)
    %add3A_326 = arith.constant 640 : i32
    %add3A_327 = arith.addi %mul3A_34, %add3A_326 : i32
    %dma_start3A_328 = arith.constant 1 : i32
    %dma_start3A_329 = arith.constant 0 : i32
    %dma_start3A_330 = arith.constant 0 : i32
    %dma_start3A_331 = tpu.memref_slice %arg7[%dma_start3A_328, %dma_start3A_329, %dma_start3A_330] : memref<4x128x64xf32, #tpu.memory_space<vmem>> -> memref<1x128x64xf32, #tpu.memory_space<vmem>>
    %dma_start3A_332 = tpu.memref_squeeze %dma_start3A_331 : memref<1x128x64xf32, #tpu.memory_space<vmem>> -> memref<128x64xf32, #tpu.memory_space<vmem>>
    %dma_start3A_333 = arith.constant 0 : i32
    %dma_start3A_334 = tpu.memref_slice %arg5[%select_n3A, %add3A_327, %dma_start3A_333] : memref<4x16384x64xf32, #tpu.memory_space<hbm>> -> memref<1x128x64xf32, #tpu.memory_space<hbm>>
    %dma_start3A_335 = tpu.memref_squeeze %dma_start3A_334 : memref<1x128x64xf32, #tpu.memory_space<hbm>> -> memref<128x64xf32, #tpu.memory_space<hbm>>
    %dma_start3A_336 = arith.constant 0 : i32
    %dma_start3A_337 = tpu.memref_slice %arg5[%select_n3A, %add3A_327, %dma_start3A_336] : memref<4x16384x64xf32, #tpu.memory_space<hbm>> -> memref<1x128x64xf32, #tpu.memory_space<hbm>>
    %dma_start3A_338 = tpu.memref_squeeze %dma_start3A_337 : memref<1x128x64xf32, #tpu.memory_space<hbm>> -> memref<128x64xf32, #tpu.memory_space<hbm>>
    %dma_start3A_339 = arith.constant 0 : i32
    %dma_start3A_340 = arith.constant 0 : i32
    %dma_start3A_341 = tpu.memref_slice %arg7[%dma_start3A_328, %dma_start3A_339, %dma_start3A_340] : memref<4x128x64xf32, #tpu.memory_space<vmem>> -> memref<1x128x64xf32, #tpu.memory_space<vmem>>
    %dma_start3A_342 = tpu.memref_squeeze %dma_start3A_341 : memref<1x128x64xf32, #tpu.memory_space<vmem>> -> memref<128x64xf32, #tpu.memory_space<vmem>>
    tpu.enqueue_dma source(%dma_start3A_342 : memref<128x64xf32, #tpu.memory_space<vmem>>) target(%dma_start3A_338 : memref<128x64xf32, #tpu.memory_space<hbm>>) target_semaphore(%arg14 : memref<!tpu.dma_semaphore, #tpu.memory_space<semaphore_mem>>)
    %dma_wait3A_343 = arith.constant 0 : i32
    %dma_wait3A_344 = arith.constant 0 : i32
    %dma_wait3A_345 = arith.constant 0 : i32
    %dma_wait3A_346 = tpu.memref_slice %arg7[%dma_wait3A_343, %dma_wait3A_344, %dma_wait3A_345] : memref<4x128x64xf32, #tpu.memory_space<vmem>> -> memref<1x128x64xf32, #tpu.memory_space<vmem>>
    %dma_wait3A_347 = tpu.memref_squeeze %dma_wait3A_346 : memref<1x128x64xf32, #tpu.memory_space<vmem>> -> memref<128x64xf32, #tpu.memory_space<vmem>>
    %dma_wait3A_348 = arith.constant 0 : i32
    %dma_wait3A_349 = tpu.memref_slice %arg5[%select_n3A, %add3A_275, %dma_wait3A_348] : memref<4x16384x64xf32, #tpu.memory_space<hbm>> -> memref<1x128x64xf32, #tpu.memory_space<hbm>>
    %dma_wait3A_350 = tpu.memref_squeeze %dma_wait3A_349 : memref<1x128x64xf32, #tpu.memory_space<hbm>> -> memref<128x64xf32, #tpu.memory_space<hbm>>
    %dma_wait3A_351 = arith.constant 0 : i32
    %dma_wait3A_352 = tpu.memref_slice %arg5[%select_n3A, %add3A_275, %dma_wait3A_351] : memref<4x16384x64xf32, #tpu.memory_space<hbm>> -> memref<1x128x64xf32, #tpu.memory_space<hbm>>
    %dma_wait3A_353 = tpu.memref_squeeze %dma_wait3A_352 : memref<1x128x64xf32, #tpu.memory_space<hbm>> -> memref<128x64xf32, #tpu.memory_space<hbm>>
    %dma_wait3A_354 = arith.constant 0 : i32
    %dma_wait3A_355 = arith.constant 0 : i32
    %dma_wait3A_356 = tpu.memref_slice %arg7[%dma_wait3A_343, %dma_wait3A_354, %dma_wait3A_355] : memref<4x128x64xf32, #tpu.memory_space<vmem>> -> memref<1x128x64xf32, #tpu.memory_space<vmem>>
    %dma_wait3A_357 = tpu.memref_squeeze %dma_wait3A_356 : memref<1x128x64xf32, #tpu.memory_space<vmem>> -> memref<128x64xf32, #tpu.memory_space<vmem>>
    tpu.wait_dma2 semaphore(%arg13 : memref<!tpu.dma_semaphore, #tpu.memory_space<semaphore_mem>>) src(%dma_wait3A_357 : memref<128x64xf32, #tpu.memory_space<vmem>>) dst(%dma_wait3A_353 : memref<128x64xf32, #tpu.memory_space<hbm>>)
    %dma_start3A_358 = arith.constant 0 : i32
    %dma_start3A_359 = arith.constant 0 : i32
    %dma_start3A_360 = arith.constant 0 : i32
    %dma_start3A_361 = tpu.memref_slice %arg7[%dma_start3A_358, %dma_start3A_359, %dma_start3A_360] : memref<4x128x64xf32, #tpu.memory_space<vmem>> -> memref<1x128x64xf32, #tpu.memory_space<vmem>>
    %dma_start3A_362 = tpu.memref_squeeze %dma_start3A_361 : memref<1x128x64xf32, #tpu.memory_space<vmem>> -> memref<128x64xf32, #tpu.memory_space<vmem>>
    %dma_start3A_363 = arith.constant 1024 : i32
    %dma_start3A_364 = tpu.memref_slice %arg6[%dma_start3A_363] : memref<2048xi32, #tpu.memory_space<vmem>> -> memref<128xi32, #tpu.memory_space<vmem>>
    %dma_start3A_365 = arith.constant 0 : i32
    %dma_start3A_366 = arith.constant 0 : i32
    %dma_start3A_367 = tpu.memref_slice %arg3[%dma_start3A_365, %dma_start3A_366] : memref<800334x64xf32, #tpu.memory_space<hbm>> -> memref<800334x64xf32, #tpu.memory_space<hbm>>
    tpu.enqueue_indirect_dma source(%dma_start3A_367 : memref<800334x64xf32, #tpu.memory_space<hbm>>) target(%dma_start3A_362 : memref<128x64xf32, #tpu.memory_space<vmem>>) offsets(%dma_start3A_364 : memref<128xi32, #tpu.memory_space<vmem>>) semaphore(%arg9 : memref<!tpu.dma_semaphore, #tpu.memory_space<semaphore_mem>>)
    %dma_wait3A_368 = arith.constant 2 : i32
    %dma_wait3A_369 = arith.constant 0 : i32
    %dma_wait3A_370 = arith.constant 0 : i32
    %dma_wait3A_371 = tpu.memref_slice %arg7[%dma_wait3A_368, %dma_wait3A_369, %dma_wait3A_370] : memref<4x128x64xf32, #tpu.memory_space<vmem>> -> memref<1x128x64xf32, #tpu.memory_space<vmem>>
    %dma_wait3A_372 = tpu.memref_squeeze %dma_wait3A_371 : memref<1x128x64xf32, #tpu.memory_space<vmem>> -> memref<128x64xf32, #tpu.memory_space<vmem>>
    %dma_wait3A_373 = arith.constant 768 : i32
    %dma_wait3A_374 = tpu.memref_slice %arg6[%dma_wait3A_373] : memref<2048xi32, #tpu.memory_space<vmem>> -> memref<128xi32, #tpu.memory_space<vmem>>
    %dma_wait3A_375 = arith.constant 0 : i32
    %dma_wait3A_376 = arith.constant 0 : i32
    %dma_wait3A_377 = tpu.memref_slice %arg3[%dma_wait3A_375, %dma_wait3A_376] : memref<800334x64xf32, #tpu.memory_space<hbm>> -> memref<800334x64xf32, #tpu.memory_space<hbm>>
    tpu.wait_indirect_dma semaphore(%arg11 : memref<!tpu.dma_semaphore, #tpu.memory_space<semaphore_mem>>) src(%dma_wait3A_377 : memref<800334x64xf32, #tpu.memory_space<hbm>>) dst(%dma_wait3A_372 : memref<128x64xf32, #tpu.memory_space<vmem>>)
    %add3A_378 = arith.constant 768 : i32
    %add3A_379 = arith.addi %mul3A_34, %add3A_378 : i32
    %dma_start3A_380 = arith.constant 2 : i32
    %dma_start3A_381 = arith.constant 0 : i32
    %dma_start3A_382 = arith.constant 0 : i32
    %dma_start3A_383 = tpu.memref_slice %arg7[%dma_start3A_380, %dma_start3A_381, %dma_start3A_382] : memref<4x128x64xf32, #tpu.memory_space<vmem>> -> memref<1x128x64xf32, #tpu.memory_space<vmem>>
    %dma_start3A_384 = tpu.memref_squeeze %dma_start3A_383 : memref<1x128x64xf32, #tpu.memory_space<vmem>> -> memref<128x64xf32, #tpu.memory_space<vmem>>
    %dma_start3A_385 = arith.constant 0 : i32
    %dma_start3A_386 = tpu.memref_slice %arg5[%select_n3A, %add3A_379, %dma_start3A_385] : memref<4x16384x64xf32, #tpu.memory_space<hbm>> -> memref<1x128x64xf32, #tpu.memory_space<hbm>>
    %dma_start3A_387 = tpu.memref_squeeze %dma_start3A_386 : memref<1x128x64xf32, #tpu.memory_space<hbm>> -> memref<128x64xf32, #tpu.memory_space<hbm>>
    %dma_start3A_388 = arith.constant 0 : i32
    %dma_start3A_389 = tpu.memref_slice %arg5[%select_n3A, %add3A_379, %dma_start3A_388] : memref<4x16384x64xf32, #tpu.memory_space<hbm>> -> memref<1x128x64xf32, #tpu.memory_space<hbm>>
    %dma_start3A_390 = tpu.memref_squeeze %dma_start3A_389 : memref<1x128x64xf32, #tpu.memory_space<hbm>> -> memref<128x64xf32, #tpu.memory_space<hbm>>
    %dma_start3A_391 = arith.constant 0 : i32
    %dma_start3A_392 = arith.constant 0 : i32
    %dma_start3A_393 = tpu.memref_slice %arg7[%dma_start3A_380, %dma_start3A_391, %dma_start3A_392] : memref<4x128x64xf32, #tpu.memory_space<vmem>> -> memref<1x128x64xf32, #tpu.memory_space<vmem>>
    %dma_start3A_394 = tpu.memref_squeeze %dma_start3A_393 : memref<1x128x64xf32, #tpu.memory_space<vmem>> -> memref<128x64xf32, #tpu.memory_space<vmem>>
    tpu.enqueue_dma source(%dma_start3A_394 : memref<128x64xf32, #tpu.memory_space<vmem>>) target(%dma_start3A_390 : memref<128x64xf32, #tpu.memory_space<hbm>>) target_semaphore(%arg15 : memref<!tpu.dma_semaphore, #tpu.memory_space<semaphore_mem>>)
    %dma_wait3A_395 = arith.constant 1 : i32
    %dma_wait3A_396 = arith.constant 0 : i32
    %dma_wait3A_397 = arith.constant 0 : i32
    %dma_wait3A_398 = tpu.memref_slice %arg7[%dma_wait3A_395, %dma_wait3A_396, %dma_wait3A_397] : memref<4x128x64xf32, #tpu.memory_space<vmem>> -> memref<1x128x64xf32, #tpu.memory_space<vmem>>
    %dma_wait3A_399 = tpu.memref_squeeze %dma_wait3A_398 : memref<1x128x64xf32, #tpu.memory_space<vmem>> -> memref<128x64xf32, #tpu.memory_space<vmem>>
    %dma_wait3A_400 = arith.constant 0 : i32
    %dma_wait3A_401 = tpu.memref_slice %arg5[%select_n3A, %add3A_327, %dma_wait3A_400] : memref<4x16384x64xf32, #tpu.memory_space<hbm>> -> memref<1x128x64xf32, #tpu.memory_space<hbm>>
    %dma_wait3A_402 = tpu.memref_squeeze %dma_wait3A_401 : memref<1x128x64xf32, #tpu.memory_space<hbm>> -> memref<128x64xf32, #tpu.memory_space<hbm>>
    %dma_wait3A_403 = arith.constant 0 : i32
    %dma_wait3A_404 = tpu.memref_slice %arg5[%select_n3A, %add3A_327, %dma_wait3A_403] : memref<4x16384x64xf32, #tpu.memory_space<hbm>> -> memref<1x128x64xf32, #tpu.memory_space<hbm>>
    %dma_wait3A_405 = tpu.memref_squeeze %dma_wait3A_404 : memref<1x128x64xf32, #tpu.memory_space<hbm>> -> memref<128x64xf32, #tpu.memory_space<hbm>>
    %dma_wait3A_406 = arith.constant 0 : i32
    %dma_wait3A_407 = arith.constant 0 : i32
    %dma_wait3A_408 = tpu.memref_slice %arg7[%dma_wait3A_395, %dma_wait3A_406, %dma_wait3A_407] : memref<4x128x64xf32, #tpu.memory_space<vmem>> -> memref<1x128x64xf32, #tpu.memory_space<vmem>>
    %dma_wait3A_409 = tpu.memref_squeeze %dma_wait3A_408 : memref<1x128x64xf32, #tpu.memory_space<vmem>> -> memref<128x64xf32, #tpu.memory_space<vmem>>
    tpu.wait_dma2 semaphore(%arg14 : memref<!tpu.dma_semaphore, #tpu.memory_space<semaphore_mem>>) src(%dma_wait3A_409 : memref<128x64xf32, #tpu.memory_space<vmem>>) dst(%dma_wait3A_405 : memref<128x64xf32, #tpu.memory_space<hbm>>)
    %dma_start3A_410 = arith.constant 1 : i32
    %dma_start3A_411 = arith.constant 0 : i32
    %dma_start3A_412 = arith.constant 0 : i32
    %dma_start3A_413 = tpu.memref_slice %arg7[%dma_start3A_410, %dma_start3A_411, %dma_start3A_412] : memref<4x128x64xf32, #tpu.memory_space<vmem>> -> memref<1x128x64xf32, #tpu.memory_space<vmem>>
    %dma_start3A_414 = tpu.memref_squeeze %dma_start3A_413 : memref<1x128x64xf32, #tpu.memory_space<vmem>> -> memref<128x64xf32, #tpu.memory_space<vmem>>
    %dma_start3A_415 = arith.constant 1152 : i32
    %dma_start3A_416 = tpu.memref_slice %arg6[%dma_start3A_415] : memref<2048xi32, #tpu.memory_space<vmem>> -> memref<128xi32, #tpu.memory_space<vmem>>
    %dma_start3A_417 = arith.constant 0 : i32
    %dma_start3A_418 = arith.constant 0 : i32
    %dma_start3A_419 = tpu.memref_slice %arg3[%dma_start3A_417, %dma_start3A_418] : memref<800334x64xf32, #tpu.memory_space<hbm>> -> memref<800334x64xf32, #tpu.memory_space<hbm>>
    tpu.enqueue_indirect_dma source(%dma_start3A_419 : memref<800334x64xf32, #tpu.memory_space<hbm>>) target(%dma_start3A_414 : memref<128x64xf32, #tpu.memory_space<vmem>>) offsets(%dma_start3A_416 : memref<128xi32, #tpu.memory_space<vmem>>) semaphore(%arg10 : memref<!tpu.dma_semaphore, #tpu.memory_space<semaphore_mem>>)
    %dma_wait3A_420 = arith.constant 3 : i32
    %dma_wait3A_421 = arith.constant 0 : i32
    %dma_wait3A_422 = arith.constant 0 : i32
    %dma_wait3A_423 = tpu.memref_slice %arg7[%dma_wait3A_420, %dma_wait3A_421, %dma_wait3A_422] : memref<4x128x64xf32, #tpu.memory_space<vmem>> -> memref<1x128x64xf32, #tpu.memory_space<vmem>>
    %dma_wait3A_424 = tpu.memref_squeeze %dma_wait3A_423 : memref<1x128x64xf32, #tpu.memory_space<vmem>> -> memref<128x64xf32, #tpu.memory_space<vmem>>
    %dma_wait3A_425 = arith.constant 896 : i32
    %dma_wait3A_426 = tpu.memref_slice %arg6[%dma_wait3A_425] : memref<2048xi32, #tpu.memory_space<vmem>> -> memref<128xi32, #tpu.memory_space<vmem>>
    %dma_wait3A_427 = arith.constant 0 : i32
    %dma_wait3A_428 = arith.constant 0 : i32
    %dma_wait3A_429 = tpu.memref_slice %arg3[%dma_wait3A_427, %dma_wait3A_428] : memref<800334x64xf32, #tpu.memory_space<hbm>> -> memref<800334x64xf32, #tpu.memory_space<hbm>>
    tpu.wait_indirect_dma semaphore(%arg12 : memref<!tpu.dma_semaphore, #tpu.memory_space<semaphore_mem>>) src(%dma_wait3A_429 : memref<800334x64xf32, #tpu.memory_space<hbm>>) dst(%dma_wait3A_424 : memref<128x64xf32, #tpu.memory_space<vmem>>)
    %add3A_430 = arith.constant 896 : i32
    %add3A_431 = arith.addi %mul3A_34, %add3A_430 : i32
    %dma_start3A_432 = arith.constant 3 : i32
    %dma_start3A_433 = arith.constant 0 : i32
    %dma_start3A_434 = arith.constant 0 : i32
    %dma_start3A_435 = tpu.memref_slice %arg7[%dma_start3A_432, %dma_start3A_433, %dma_start3A_434] : memref<4x128x64xf32, #tpu.memory_space<vmem>> -> memref<1x128x64xf32, #tpu.memory_space<vmem>>
    %dma_start3A_436 = tpu.memref_squeeze %dma_start3A_435 : memref<1x128x64xf32, #tpu.memory_space<vmem>> -> memref<128x64xf32, #tpu.memory_space<vmem>>
    %dma_start3A_437 = arith.constant 0 : i32
    %dma_start3A_438 = tpu.memref_slice %arg5[%select_n3A, %add3A_431, %dma_start3A_437] : memref<4x16384x64xf32, #tpu.memory_space<hbm>> -> memref<1x128x64xf32, #tpu.memory_space<hbm>>
    %dma_start3A_439 = tpu.memref_squeeze %dma_start3A_438 : memref<1x128x64xf32, #tpu.memory_space<hbm>> -> memref<128x64xf32, #tpu.memory_space<hbm>>
    %dma_start3A_440 = arith.constant 0 : i32
    %dma_start3A_441 = tpu.memref_slice %arg5[%select_n3A, %add3A_431, %dma_start3A_440] : memref<4x16384x64xf32, #tpu.memory_space<hbm>> -> memref<1x128x64xf32, #tpu.memory_space<hbm>>
    %dma_start3A_442 = tpu.memref_squeeze %dma_start3A_441 : memref<1x128x64xf32, #tpu.memory_space<hbm>> -> memref<128x64xf32, #tpu.memory_space<hbm>>
    %dma_start3A_443 = arith.constant 0 : i32
    %dma_start3A_444 = arith.constant 0 : i32
    %dma_start3A_445 = tpu.memref_slice %arg7[%dma_start3A_432, %dma_start3A_443, %dma_start3A_444] : memref<4x128x64xf32, #tpu.memory_space<vmem>> -> memref<1x128x64xf32, #tpu.memory_space<vmem>>
    %dma_start3A_446 = tpu.memref_squeeze %dma_start3A_445 : memref<1x128x64xf32, #tpu.memory_space<vmem>> -> memref<128x64xf32, #tpu.memory_space<vmem>>
    tpu.enqueue_dma source(%dma_start3A_446 : memref<128x64xf32, #tpu.memory_space<vmem>>) target(%dma_start3A_442 : memref<128x64xf32, #tpu.memory_space<hbm>>) target_semaphore(%arg16 : memref<!tpu.dma_semaphore, #tpu.memory_space<semaphore_mem>>)
    %dma_wait3A_447 = arith.constant 2 : i32
    %dma_wait3A_448 = arith.constant 0 : i32
    %dma_wait3A_449 = arith.constant 0 : i32
    %dma_wait3A_450 = tpu.memref_slice %arg7[%dma_wait3A_447, %dma_wait3A_448, %dma_wait3A_449] : memref<4x128x64xf32, #tpu.memory_space<vmem>> -> memref<1x128x64xf32, #tpu.memory_space<vmem>>
    %dma_wait3A_451 = tpu.memref_squeeze %dma_wait3A_450 : memref<1x128x64xf32, #tpu.memory_space<vmem>> -> memref<128x64xf32, #tpu.memory_space<vmem>>
    %dma_wait3A_452 = arith.constant 0 : i32
    %dma_wait3A_453 = tpu.memref_slice %arg5[%select_n3A, %add3A_379, %dma_wait3A_452] : memref<4x16384x64xf32, #tpu.memory_space<hbm>> -> memref<1x128x64xf32, #tpu.memory_space<hbm>>
    %dma_wait3A_454 = tpu.memref_squeeze %dma_wait3A_453 : memref<1x128x64xf32, #tpu.memory_space<hbm>> -> memref<128x64xf32, #tpu.memory_space<hbm>>
    %dma_wait3A_455 = arith.constant 0 : i32
    %dma_wait3A_456 = tpu.memref_slice %arg5[%select_n3A, %add3A_379, %dma_wait3A_455] : memref<4x16384x64xf32, #tpu.memory_space<hbm>> -> memref<1x128x64xf32, #tpu.memory_space<hbm>>
    %dma_wait3A_457 = tpu.memref_squeeze %dma_wait3A_456 : memref<1x128x64xf32, #tpu.memory_space<hbm>> -> memref<128x64xf32, #tpu.memory_space<hbm>>
    %dma_wait3A_458 = arith.constant 0 : i32
    %dma_wait3A_459 = arith.constant 0 : i32
    %dma_wait3A_460 = tpu.memref_slice %arg7[%dma_wait3A_447, %dma_wait3A_458, %dma_wait3A_459] : memref<4x128x64xf32, #tpu.memory_space<vmem>> -> memref<1x128x64xf32, #tpu.memory_space<vmem>>
    %dma_wait3A_461 = tpu.memref_squeeze %dma_wait3A_460 : memref<1x128x64xf32, #tpu.memory_space<vmem>> -> memref<128x64xf32, #tpu.memory_space<vmem>>
    tpu.wait_dma2 semaphore(%arg15 : memref<!tpu.dma_semaphore, #tpu.memory_space<semaphore_mem>>) src(%dma_wait3A_461 : memref<128x64xf32, #tpu.memory_space<vmem>>) dst(%dma_wait3A_457 : memref<128x64xf32, #tpu.memory_space<hbm>>)
    %dma_start3A_462 = arith.constant 2 : i32
    %dma_start3A_463 = arith.constant 0 : i32
    %dma_start3A_464 = arith.constant 0 : i32
    %dma_start3A_465 = tpu.memref_slice %arg7[%dma_start3A_462, %dma_start3A_463, %dma_start3A_464] : memref<4x128x64xf32, #tpu.memory_space<vmem>> -> memref<1x128x64xf32, #tpu.memory_space<vmem>>
    %dma_start3A_466 = tpu.memref_squeeze %dma_start3A_465 : memref<1x128x64xf32, #tpu.memory_space<vmem>> -> memref<128x64xf32, #tpu.memory_space<vmem>>
    %dma_start3A_467 = arith.constant 1280 : i32
    %dma_start3A_468 = tpu.memref_slice %arg6[%dma_start3A_467] : memref<2048xi32, #tpu.memory_space<vmem>> -> memref<128xi32, #tpu.memory_space<vmem>>
    %dma_start3A_469 = arith.constant 0 : i32
    %dma_start3A_470 = arith.constant 0 : i32
    %dma_start3A_471 = tpu.memref_slice %arg3[%dma_start3A_469, %dma_start3A_470] : memref<800334x64xf32, #tpu.memory_space<hbm>> -> memref<800334x64xf32, #tpu.memory_space<hbm>>
    tpu.enqueue_indirect_dma source(%dma_start3A_471 : memref<800334x64xf32, #tpu.memory_space<hbm>>) target(%dma_start3A_466 : memref<128x64xf32, #tpu.memory_space<vmem>>) offsets(%dma_start3A_468 : memref<128xi32, #tpu.memory_space<vmem>>) semaphore(%arg11 : memref<!tpu.dma_semaphore, #tpu.memory_space<semaphore_mem>>)
    %dma_wait3A_472 = arith.constant 0 : i32
    %dma_wait3A_473 = arith.constant 0 : i32
    %dma_wait3A_474 = arith.constant 0 : i32
    %dma_wait3A_475 = tpu.memref_slice %arg7[%dma_wait3A_472, %dma_wait3A_473, %dma_wait3A_474] : memref<4x128x64xf32, #tpu.memory_space<vmem>> -> memref<1x128x64xf32, #tpu.memory_space<vmem>>
    %dma_wait3A_476 = tpu.memref_squeeze %dma_wait3A_475 : memref<1x128x64xf32, #tpu.memory_space<vmem>> -> memref<128x64xf32, #tpu.memory_space<vmem>>
    %dma_wait3A_477 = arith.constant 1024 : i32
    %dma_wait3A_478 = tpu.memref_slice %arg6[%dma_wait3A_477] : memref<2048xi32, #tpu.memory_space<vmem>> -> memref<128xi32, #tpu.memory_space<vmem>>
    %dma_wait3A_479 = arith.constant 0 : i32
    %dma_wait3A_480 = arith.constant 0 : i32
    %dma_wait3A_481 = tpu.memref_slice %arg3[%dma_wait3A_479, %dma_wait3A_480] : memref<800334x64xf32, #tpu.memory_space<hbm>> -> memref<800334x64xf32, #tpu.memory_space<hbm>>
    tpu.wait_indirect_dma semaphore(%arg9 : memref<!tpu.dma_semaphore, #tpu.memory_space<semaphore_mem>>) src(%dma_wait3A_481 : memref<800334x64xf32, #tpu.memory_space<hbm>>) dst(%dma_wait3A_476 : memref<128x64xf32, #tpu.memory_space<vmem>>)
    %add3A_482 = arith.constant 1024 : i32
    %add3A_483 = arith.addi %mul3A_34, %add3A_482 : i32
    %dma_start3A_484 = arith.constant 0 : i32
    %dma_start3A_485 = arith.constant 0 : i32
    %dma_start3A_486 = arith.constant 0 : i32
    %dma_start3A_487 = tpu.memref_slice %arg7[%dma_start3A_484, %dma_start3A_485, %dma_start3A_486] : memref<4x128x64xf32, #tpu.memory_space<vmem>> -> memref<1x128x64xf32, #tpu.memory_space<vmem>>
    %dma_start3A_488 = tpu.memref_squeeze %dma_start3A_487 : memref<1x128x64xf32, #tpu.memory_space<vmem>> -> memref<128x64xf32, #tpu.memory_space<vmem>>
    %dma_start3A_489 = arith.constant 0 : i32
    %dma_start3A_490 = tpu.memref_slice %arg5[%select_n3A, %add3A_483, %dma_start3A_489] : memref<4x16384x64xf32, #tpu.memory_space<hbm>> -> memref<1x128x64xf32, #tpu.memory_space<hbm>>
    %dma_start3A_491 = tpu.memref_squeeze %dma_start3A_490 : memref<1x128x64xf32, #tpu.memory_space<hbm>> -> memref<128x64xf32, #tpu.memory_space<hbm>>
    %dma_start3A_492 = arith.constant 0 : i32
    %dma_start3A_493 = tpu.memref_slice %arg5[%select_n3A, %add3A_483, %dma_start3A_492] : memref<4x16384x64xf32, #tpu.memory_space<hbm>> -> memref<1x128x64xf32, #tpu.memory_space<hbm>>
    %dma_start3A_494 = tpu.memref_squeeze %dma_start3A_493 : memref<1x128x64xf32, #tpu.memory_space<hbm>> -> memref<128x64xf32, #tpu.memory_space<hbm>>
    %dma_start3A_495 = arith.constant 0 : i32
    %dma_start3A_496 = arith.constant 0 : i32
    %dma_start3A_497 = tpu.memref_slice %arg7[%dma_start3A_484, %dma_start3A_495, %dma_start3A_496] : memref<4x128x64xf32, #tpu.memory_space<vmem>> -> memref<1x128x64xf32, #tpu.memory_space<vmem>>
    %dma_start3A_498 = tpu.memref_squeeze %dma_start3A_497 : memref<1x128x64xf32, #tpu.memory_space<vmem>> -> memref<128x64xf32, #tpu.memory_space<vmem>>
    tpu.enqueue_dma source(%dma_start3A_498 : memref<128x64xf32, #tpu.memory_space<vmem>>) target(%dma_start3A_494 : memref<128x64xf32, #tpu.memory_space<hbm>>) target_semaphore(%arg13 : memref<!tpu.dma_semaphore, #tpu.memory_space<semaphore_mem>>)
    %dma_wait3A_499 = arith.constant 3 : i32
    %dma_wait3A_500 = arith.constant 0 : i32
    %dma_wait3A_501 = arith.constant 0 : i32
    %dma_wait3A_502 = tpu.memref_slice %arg7[%dma_wait3A_499, %dma_wait3A_500, %dma_wait3A_501] : memref<4x128x64xf32, #tpu.memory_space<vmem>> -> memref<1x128x64xf32, #tpu.memory_space<vmem>>
    %dma_wait3A_503 = tpu.memref_squeeze %dma_wait3A_502 : memref<1x128x64xf32, #tpu.memory_space<vmem>> -> memref<128x64xf32, #tpu.memory_space<vmem>>
    %dma_wait3A_504 = arith.constant 0 : i32
    %dma_wait3A_505 = tpu.memref_slice %arg5[%select_n3A, %add3A_431, %dma_wait3A_504] : memref<4x16384x64xf32, #tpu.memory_space<hbm>> -> memref<1x128x64xf32, #tpu.memory_space<hbm>>
    %dma_wait3A_506 = tpu.memref_squeeze %dma_wait3A_505 : memref<1x128x64xf32, #tpu.memory_space<hbm>> -> memref<128x64xf32, #tpu.memory_space<hbm>>
    %dma_wait3A_507 = arith.constant 0 : i32
    %dma_wait3A_508 = tpu.memref_slice %arg5[%select_n3A, %add3A_431, %dma_wait3A_507] : memref<4x16384x64xf32, #tpu.memory_space<hbm>> -> memref<1x128x64xf32, #tpu.memory_space<hbm>>
    %dma_wait3A_509 = tpu.memref_squeeze %dma_wait3A_508 : memref<1x128x64xf32, #tpu.memory_space<hbm>> -> memref<128x64xf32, #tpu.memory_space<hbm>>
    %dma_wait3A_510 = arith.constant 0 : i32
    %dma_wait3A_511 = arith.constant 0 : i32
    %dma_wait3A_512 = tpu.memref_slice %arg7[%dma_wait3A_499, %dma_wait3A_510, %dma_wait3A_511] : memref<4x128x64xf32, #tpu.memory_space<vmem>> -> memref<1x128x64xf32, #tpu.memory_space<vmem>>
    %dma_wait3A_513 = tpu.memref_squeeze %dma_wait3A_512 : memref<1x128x64xf32, #tpu.memory_space<vmem>> -> memref<128x64xf32, #tpu.memory_space<vmem>>
    tpu.wait_dma2 semaphore(%arg16 : memref<!tpu.dma_semaphore, #tpu.memory_space<semaphore_mem>>) src(%dma_wait3A_513 : memref<128x64xf32, #tpu.memory_space<vmem>>) dst(%dma_wait3A_509 : memref<128x64xf32, #tpu.memory_space<hbm>>)
    %dma_start3A_514 = arith.constant 3 : i32
    %dma_start3A_515 = arith.constant 0 : i32
    %dma_start3A_516 = arith.constant 0 : i32
    %dma_start3A_517 = tpu.memref_slice %arg7[%dma_start3A_514, %dma_start3A_515, %dma_start3A_516] : memref<4x128x64xf32, #tpu.memory_space<vmem>> -> memref<1x128x64xf32, #tpu.memory_space<vmem>>
    %dma_start3A_518 = tpu.memref_squeeze %dma_start3A_517 : memref<1x128x64xf32, #tpu.memory_space<vmem>> -> memref<128x64xf32, #tpu.memory_space<vmem>>
    %dma_start3A_519 = arith.constant 1408 : i32
    %dma_start3A_520 = tpu.memref_slice %arg6[%dma_start3A_519] : memref<2048xi32, #tpu.memory_space<vmem>> -> memref<128xi32, #tpu.memory_space<vmem>>
    %dma_start3A_521 = arith.constant 0 : i32
    %dma_start3A_522 = arith.constant 0 : i32
    %dma_start3A_523 = tpu.memref_slice %arg3[%dma_start3A_521, %dma_start3A_522] : memref<800334x64xf32, #tpu.memory_space<hbm>> -> memref<800334x64xf32, #tpu.memory_space<hbm>>
    tpu.enqueue_indirect_dma source(%dma_start3A_523 : memref<800334x64xf32, #tpu.memory_space<hbm>>) target(%dma_start3A_518 : memref<128x64xf32, #tpu.memory_space<vmem>>) offsets(%dma_start3A_520 : memref<128xi32, #tpu.memory_space<vmem>>) semaphore(%arg12 : memref<!tpu.dma_semaphore, #tpu.memory_space<semaphore_mem>>)
    %dma_wait3A_524 = arith.constant 1 : i32
    %dma_wait3A_525 = arith.constant 0 : i32
    %dma_wait3A_526 = arith.constant 0 : i32
    %dma_wait3A_527 = tpu.memref_slice %arg7[%dma_wait3A_524, %dma_wait3A_525, %dma_wait3A_526] : memref<4x128x64xf32, #tpu.memory_space<vmem>> -> memref<1x128x64xf32, #tpu.memory_space<vmem>>
    %dma_wait3A_528 = tpu.memref_squeeze %dma_wait3A_527 : memref<1x128x64xf32, #tpu.memory_space<vmem>> -> memref<128x64xf32, #tpu.memory_space<vmem>>
    %dma_wait3A_529 = arith.constant 1152 : i32
    %dma_wait3A_530 = tpu.memref_slice %arg6[%dma_wait3A_529] : memref<2048xi32, #tpu.memory_space<vmem>> -> memref<128xi32, #tpu.memory_space<vmem>>
    %dma_wait3A_531 = arith.constant 0 : i32
    %dma_wait3A_532 = arith.constant 0 : i32
    %dma_wait3A_533 = tpu.memref_slice %arg3[%dma_wait3A_531, %dma_wait3A_532] : memref<800334x64xf32, #tpu.memory_space<hbm>> -> memref<800334x64xf32, #tpu.memory_space<hbm>>
    tpu.wait_indirect_dma semaphore(%arg10 : memref<!tpu.dma_semaphore, #tpu.memory_space<semaphore_mem>>) src(%dma_wait3A_533 : memref<800334x64xf32, #tpu.memory_space<hbm>>) dst(%dma_wait3A_528 : memref<128x64xf32, #tpu.memory_space<vmem>>)
    %add3A_534 = arith.constant 1152 : i32
    %add3A_535 = arith.addi %mul3A_34, %add3A_534 : i32
    %dma_start3A_536 = arith.constant 1 : i32
    %dma_start3A_537 = arith.constant 0 : i32
    %dma_start3A_538 = arith.constant 0 : i32
    %dma_start3A_539 = tpu.memref_slice %arg7[%dma_start3A_536, %dma_start3A_537, %dma_start3A_538] : memref<4x128x64xf32, #tpu.memory_space<vmem>> -> memref<1x128x64xf32, #tpu.memory_space<vmem>>
    %dma_start3A_540 = tpu.memref_squeeze %dma_start3A_539 : memref<1x128x64xf32, #tpu.memory_space<vmem>> -> memref<128x64xf32, #tpu.memory_space<vmem>>
    %dma_start3A_541 = arith.constant 0 : i32
    %dma_start3A_542 = tpu.memref_slice %arg5[%select_n3A, %add3A_535, %dma_start3A_541] : memref<4x16384x64xf32, #tpu.memory_space<hbm>> -> memref<1x128x64xf32, #tpu.memory_space<hbm>>
    %dma_start3A_543 = tpu.memref_squeeze %dma_start3A_542 : memref<1x128x64xf32, #tpu.memory_space<hbm>> -> memref<128x64xf32, #tpu.memory_space<hbm>>
    %dma_start3A_544 = arith.constant 0 : i32
    %dma_start3A_545 = tpu.memref_slice %arg5[%select_n3A, %add3A_535, %dma_start3A_544] : memref<4x16384x64xf32, #tpu.memory_space<hbm>> -> memref<1x128x64xf32, #tpu.memory_space<hbm>>
    %dma_start3A_546 = tpu.memref_squeeze %dma_start3A_545 : memref<1x128x64xf32, #tpu.memory_space<hbm>> -> memref<128x64xf32, #tpu.memory_space<hbm>>
    %dma_start3A_547 = arith.constant 0 : i32
    %dma_start3A_548 = arith.constant 0 : i32
    %dma_start3A_549 = tpu.memref_slice %arg7[%dma_start3A_536, %dma_start3A_547, %dma_start3A_548] : memref<4x128x64xf32, #tpu.memory_space<vmem>> -> memref<1x128x64xf32, #tpu.memory_space<vmem>>
    %dma_start3A_550 = tpu.memref_squeeze %dma_start3A_549 : memref<1x128x64xf32, #tpu.memory_space<vmem>> -> memref<128x64xf32, #tpu.memory_space<vmem>>
    tpu.enqueue_dma source(%dma_start3A_550 : memref<128x64xf32, #tpu.memory_space<vmem>>) target(%dma_start3A_546 : memref<128x64xf32, #tpu.memory_space<hbm>>) target_semaphore(%arg14 : memref<!tpu.dma_semaphore, #tpu.memory_space<semaphore_mem>>)
    %dma_wait3A_551 = arith.constant 0 : i32
    %dma_wait3A_552 = arith.constant 0 : i32
    %dma_wait3A_553 = arith.constant 0 : i32
    %dma_wait3A_554 = tpu.memref_slice %arg7[%dma_wait3A_551, %dma_wait3A_552, %dma_wait3A_553] : memref<4x128x64xf32, #tpu.memory_space<vmem>> -> memref<1x128x64xf32, #tpu.memory_space<vmem>>
    %dma_wait3A_555 = tpu.memref_squeeze %dma_wait3A_554 : memref<1x128x64xf32, #tpu.memory_space<vmem>> -> memref<128x64xf32, #tpu.memory_space<vmem>>
    %dma_wait3A_556 = arith.constant 0 : i32
    %dma_wait3A_557 = tpu.memref_slice %arg5[%select_n3A, %add3A_483, %dma_wait3A_556] : memref<4x16384x64xf32, #tpu.memory_space<hbm>> -> memref<1x128x64xf32, #tpu.memory_space<hbm>>
    %dma_wait3A_558 = tpu.memref_squeeze %dma_wait3A_557 : memref<1x128x64xf32, #tpu.memory_space<hbm>> -> memref<128x64xf32, #tpu.memory_space<hbm>>
    %dma_wait3A_559 = arith.constant 0 : i32
    %dma_wait3A_560 = tpu.memref_slice %arg5[%select_n3A, %add3A_483, %dma_wait3A_559] : memref<4x16384x64xf32, #tpu.memory_space<hbm>> -> memref<1x128x64xf32, #tpu.memory_space<hbm>>
    %dma_wait3A_561 = tpu.memref_squeeze %dma_wait3A_560 : memref<1x128x64xf32, #tpu.memory_space<hbm>> -> memref<128x64xf32, #tpu.memory_space<hbm>>
    %dma_wait3A_562 = arith.constant 0 : i32
    %dma_wait3A_563 = arith.constant 0 : i32
    %dma_wait3A_564 = tpu.memref_slice %arg7[%dma_wait3A_551, %dma_wait3A_562, %dma_wait3A_563] : memref<4x128x64xf32, #tpu.memory_space<vmem>> -> memref<1x128x64xf32, #tpu.memory_space<vmem>>
    %dma_wait3A_565 = tpu.memref_squeeze %dma_wait3A_564 : memref<1x128x64xf32, #tpu.memory_space<vmem>> -> memref<128x64xf32, #tpu.memory_space<vmem>>
    tpu.wait_dma2 semaphore(%arg13 : memref<!tpu.dma_semaphore, #tpu.memory_space<semaphore_mem>>) src(%dma_wait3A_565 : memref<128x64xf32, #tpu.memory_space<vmem>>) dst(%dma_wait3A_561 : memref<128x64xf32, #tpu.memory_space<hbm>>)
    %dma_start3A_566 = arith.constant 0 : i32
    %dma_start3A_567 = arith.constant 0 : i32
    %dma_start3A_568 = arith.constant 0 : i32
    %dma_start3A_569 = tpu.memref_slice %arg7[%dma_start3A_566, %dma_start3A_567, %dma_start3A_568] : memref<4x128x64xf32, #tpu.memory_space<vmem>> -> memref<1x128x64xf32, #tpu.memory_space<vmem>>
    %dma_start3A_570 = tpu.memref_squeeze %dma_start3A_569 : memref<1x128x64xf32, #tpu.memory_space<vmem>> -> memref<128x64xf32, #tpu.memory_space<vmem>>
    %dma_start3A_571 = arith.constant 1536 : i32
    %dma_start3A_572 = tpu.memref_slice %arg6[%dma_start3A_571] : memref<2048xi32, #tpu.memory_space<vmem>> -> memref<128xi32, #tpu.memory_space<vmem>>
    %dma_start3A_573 = arith.constant 0 : i32
    %dma_start3A_574 = arith.constant 0 : i32
    %dma_start3A_575 = tpu.memref_slice %arg3[%dma_start3A_573, %dma_start3A_574] : memref<800334x64xf32, #tpu.memory_space<hbm>> -> memref<800334x64xf32, #tpu.memory_space<hbm>>
    tpu.enqueue_indirect_dma source(%dma_start3A_575 : memref<800334x64xf32, #tpu.memory_space<hbm>>) target(%dma_start3A_570 : memref<128x64xf32, #tpu.memory_space<vmem>>) offsets(%dma_start3A_572 : memref<128xi32, #tpu.memory_space<vmem>>) semaphore(%arg9 : memref<!tpu.dma_semaphore, #tpu.memory_space<semaphore_mem>>)
    %dma_wait3A_576 = arith.constant 2 : i32
    %dma_wait3A_577 = arith.constant 0 : i32
    %dma_wait3A_578 = arith.constant 0 : i32
    %dma_wait3A_579 = tpu.memref_slice %arg7[%dma_wait3A_576, %dma_wait3A_577, %dma_wait3A_578] : memref<4x128x64xf32, #tpu.memory_space<vmem>> -> memref<1x128x64xf32, #tpu.memory_space<vmem>>
    %dma_wait3A_580 = tpu.memref_squeeze %dma_wait3A_579 : memref<1x128x64xf32, #tpu.memory_space<vmem>> -> memref<128x64xf32, #tpu.memory_space<vmem>>
    %dma_wait3A_581 = arith.constant 1280 : i32
    %dma_wait3A_582 = tpu.memref_slice %arg6[%dma_wait3A_581] : memref<2048xi32, #tpu.memory_space<vmem>> -> memref<128xi32, #tpu.memory_space<vmem>>
    %dma_wait3A_583 = arith.constant 0 : i32
    %dma_wait3A_584 = arith.constant 0 : i32
    %dma_wait3A_585 = tpu.memref_slice %arg3[%dma_wait3A_583, %dma_wait3A_584] : memref<800334x64xf32, #tpu.memory_space<hbm>> -> memref<800334x64xf32, #tpu.memory_space<hbm>>
    tpu.wait_indirect_dma semaphore(%arg11 : memref<!tpu.dma_semaphore, #tpu.memory_space<semaphore_mem>>) src(%dma_wait3A_585 : memref<800334x64xf32, #tpu.memory_space<hbm>>) dst(%dma_wait3A_580 : memref<128x64xf32, #tpu.memory_space<vmem>>)
    %add3A_586 = arith.constant 1280 : i32
    %add3A_587 = arith.addi %mul3A_34, %add3A_586 : i32
    %dma_start3A_588 = arith.constant 2 : i32
    %dma_start3A_589 = arith.constant 0 : i32
    %dma_start3A_590 = arith.constant 0 : i32
    %dma_start3A_591 = tpu.memref_slice %arg7[%dma_start3A_588, %dma_start3A_589, %dma_start3A_590] : memref<4x128x64xf32, #tpu.memory_space<vmem>> -> memref<1x128x64xf32, #tpu.memory_space<vmem>>
    %dma_start3A_592 = tpu.memref_squeeze %dma_start3A_591 : memref<1x128x64xf32, #tpu.memory_space<vmem>> -> memref<128x64xf32, #tpu.memory_space<vmem>>
    %dma_start3A_593 = arith.constant 0 : i32
    %dma_start3A_594 = tpu.memref_slice %arg5[%select_n3A, %add3A_587, %dma_start3A_593] : memref<4x16384x64xf32, #tpu.memory_space<hbm>> -> memref<1x128x64xf32, #tpu.memory_space<hbm>>
    %dma_start3A_595 = tpu.memref_squeeze %dma_start3A_594 : memref<1x128x64xf32, #tpu.memory_space<hbm>> -> memref<128x64xf32, #tpu.memory_space<hbm>>
    %dma_start3A_596 = arith.constant 0 : i32
    %dma_start3A_597 = tpu.memref_slice %arg5[%select_n3A, %add3A_587, %dma_start3A_596] : memref<4x16384x64xf32, #tpu.memory_space<hbm>> -> memref<1x128x64xf32, #tpu.memory_space<hbm>>
    %dma_start3A_598 = tpu.memref_squeeze %dma_start3A_597 : memref<1x128x64xf32, #tpu.memory_space<hbm>> -> memref<128x64xf32, #tpu.memory_space<hbm>>
    %dma_start3A_599 = arith.constant 0 : i32
    %dma_start3A_600 = arith.constant 0 : i32
    %dma_start3A_601 = tpu.memref_slice %arg7[%dma_start3A_588, %dma_start3A_599, %dma_start3A_600] : memref<4x128x64xf32, #tpu.memory_space<vmem>> -> memref<1x128x64xf32, #tpu.memory_space<vmem>>
    %dma_start3A_602 = tpu.memref_squeeze %dma_start3A_601 : memref<1x128x64xf32, #tpu.memory_space<vmem>> -> memref<128x64xf32, #tpu.memory_space<vmem>>
    tpu.enqueue_dma source(%dma_start3A_602 : memref<128x64xf32, #tpu.memory_space<vmem>>) target(%dma_start3A_598 : memref<128x64xf32, #tpu.memory_space<hbm>>) target_semaphore(%arg15 : memref<!tpu.dma_semaphore, #tpu.memory_space<semaphore_mem>>)
    %dma_wait3A_603 = arith.constant 1 : i32
    %dma_wait3A_604 = arith.constant 0 : i32
    %dma_wait3A_605 = arith.constant 0 : i32
    %dma_wait3A_606 = tpu.memref_slice %arg7[%dma_wait3A_603, %dma_wait3A_604, %dma_wait3A_605] : memref<4x128x64xf32, #tpu.memory_space<vmem>> -> memref<1x128x64xf32, #tpu.memory_space<vmem>>
    %dma_wait3A_607 = tpu.memref_squeeze %dma_wait3A_606 : memref<1x128x64xf32, #tpu.memory_space<vmem>> -> memref<128x64xf32, #tpu.memory_space<vmem>>
    %dma_wait3A_608 = arith.constant 0 : i32
    %dma_wait3A_609 = tpu.memref_slice %arg5[%select_n3A, %add3A_535, %dma_wait3A_608] : memref<4x16384x64xf32, #tpu.memory_space<hbm>> -> memref<1x128x64xf32, #tpu.memory_space<hbm>>
    %dma_wait3A_610 = tpu.memref_squeeze %dma_wait3A_609 : memref<1x128x64xf32, #tpu.memory_space<hbm>> -> memref<128x64xf32, #tpu.memory_space<hbm>>
    %dma_wait3A_611 = arith.constant 0 : i32
    %dma_wait3A_612 = tpu.memref_slice %arg5[%select_n3A, %add3A_535, %dma_wait3A_611] : memref<4x16384x64xf32, #tpu.memory_space<hbm>> -> memref<1x128x64xf32, #tpu.memory_space<hbm>>
    %dma_wait3A_613 = tpu.memref_squeeze %dma_wait3A_612 : memref<1x128x64xf32, #tpu.memory_space<hbm>> -> memref<128x64xf32, #tpu.memory_space<hbm>>
    %dma_wait3A_614 = arith.constant 0 : i32
    %dma_wait3A_615 = arith.constant 0 : i32
    %dma_wait3A_616 = tpu.memref_slice %arg7[%dma_wait3A_603, %dma_wait3A_614, %dma_wait3A_615] : memref<4x128x64xf32, #tpu.memory_space<vmem>> -> memref<1x128x64xf32, #tpu.memory_space<vmem>>
    %dma_wait3A_617 = tpu.memref_squeeze %dma_wait3A_616 : memref<1x128x64xf32, #tpu.memory_space<vmem>> -> memref<128x64xf32, #tpu.memory_space<vmem>>
    tpu.wait_dma2 semaphore(%arg14 : memref<!tpu.dma_semaphore, #tpu.memory_space<semaphore_mem>>) src(%dma_wait3A_617 : memref<128x64xf32, #tpu.memory_space<vmem>>) dst(%dma_wait3A_613 : memref<128x64xf32, #tpu.memory_space<hbm>>)
    %dma_start3A_618 = arith.constant 1 : i32
    %dma_start3A_619 = arith.constant 0 : i32
    %dma_start3A_620 = arith.constant 0 : i32
    %dma_start3A_621 = tpu.memref_slice %arg7[%dma_start3A_618, %dma_start3A_619, %dma_start3A_620] : memref<4x128x64xf32, #tpu.memory_space<vmem>> -> memref<1x128x64xf32, #tpu.memory_space<vmem>>
    %dma_start3A_622 = tpu.memref_squeeze %dma_start3A_621 : memref<1x128x64xf32, #tpu.memory_space<vmem>> -> memref<128x64xf32, #tpu.memory_space<vmem>>
    %dma_start3A_623 = arith.constant 1664 : i32
    %dma_start3A_624 = tpu.memref_slice %arg6[%dma_start3A_623] : memref<2048xi32, #tpu.memory_space<vmem>> -> memref<128xi32, #tpu.memory_space<vmem>>
    %dma_start3A_625 = arith.constant 0 : i32
    %dma_start3A_626 = arith.constant 0 : i32
    %dma_start3A_627 = tpu.memref_slice %arg3[%dma_start3A_625, %dma_start3A_626] : memref<800334x64xf32, #tpu.memory_space<hbm>> -> memref<800334x64xf32, #tpu.memory_space<hbm>>
    tpu.enqueue_indirect_dma source(%dma_start3A_627 : memref<800334x64xf32, #tpu.memory_space<hbm>>) target(%dma_start3A_622 : memref<128x64xf32, #tpu.memory_space<vmem>>) offsets(%dma_start3A_624 : memref<128xi32, #tpu.memory_space<vmem>>) semaphore(%arg10 : memref<!tpu.dma_semaphore, #tpu.memory_space<semaphore_mem>>)
    %dma_wait3A_628 = arith.constant 3 : i32
    %dma_wait3A_629 = arith.constant 0 : i32
    %dma_wait3A_630 = arith.constant 0 : i32
    %dma_wait3A_631 = tpu.memref_slice %arg7[%dma_wait3A_628, %dma_wait3A_629, %dma_wait3A_630] : memref<4x128x64xf32, #tpu.memory_space<vmem>> -> memref<1x128x64xf32, #tpu.memory_space<vmem>>
    %dma_wait3A_632 = tpu.memref_squeeze %dma_wait3A_631 : memref<1x128x64xf32, #tpu.memory_space<vmem>> -> memref<128x64xf32, #tpu.memory_space<vmem>>
    %dma_wait3A_633 = arith.constant 1408 : i32
    %dma_wait3A_634 = tpu.memref_slice %arg6[%dma_wait3A_633] : memref<2048xi32, #tpu.memory_space<vmem>> -> memref<128xi32, #tpu.memory_space<vmem>>
    %dma_wait3A_635 = arith.constant 0 : i32
    %dma_wait3A_636 = arith.constant 0 : i32
    %dma_wait3A_637 = tpu.memref_slice %arg3[%dma_wait3A_635, %dma_wait3A_636] : memref<800334x64xf32, #tpu.memory_space<hbm>> -> memref<800334x64xf32, #tpu.memory_space<hbm>>
    tpu.wait_indirect_dma semaphore(%arg12 : memref<!tpu.dma_semaphore, #tpu.memory_space<semaphore_mem>>) src(%dma_wait3A_637 : memref<800334x64xf32, #tpu.memory_space<hbm>>) dst(%dma_wait3A_632 : memref<128x64xf32, #tpu.memory_space<vmem>>)
    %add3A_638 = arith.constant 1408 : i32
    %add3A_639 = arith.addi %mul3A_34, %add3A_638 : i32
    %dma_start3A_640 = arith.constant 3 : i32
    %dma_start3A_641 = arith.constant 0 : i32
    %dma_start3A_642 = arith.constant 0 : i32
    %dma_start3A_643 = tpu.memref_slice %arg7[%dma_start3A_640, %dma_start3A_641, %dma_start3A_642] : memref<4x128x64xf32, #tpu.memory_space<vmem>> -> memref<1x128x64xf32, #tpu.memory_space<vmem>>
    %dma_start3A_644 = tpu.memref_squeeze %dma_start3A_643 : memref<1x128x64xf32, #tpu.memory_space<vmem>> -> memref<128x64xf32, #tpu.memory_space<vmem>>
    %dma_start3A_645 = arith.constant 0 : i32
    %dma_start3A_646 = tpu.memref_slice %arg5[%select_n3A, %add3A_639, %dma_start3A_645] : memref<4x16384x64xf32, #tpu.memory_space<hbm>> -> memref<1x128x64xf32, #tpu.memory_space<hbm>>
    %dma_start3A_647 = tpu.memref_squeeze %dma_start3A_646 : memref<1x128x64xf32, #tpu.memory_space<hbm>> -> memref<128x64xf32, #tpu.memory_space<hbm>>
    %dma_start3A_648 = arith.constant 0 : i32
    %dma_start3A_649 = tpu.memref_slice %arg5[%select_n3A, %add3A_639, %dma_start3A_648] : memref<4x16384x64xf32, #tpu.memory_space<hbm>> -> memref<1x128x64xf32, #tpu.memory_space<hbm>>
    %dma_start3A_650 = tpu.memref_squeeze %dma_start3A_649 : memref<1x128x64xf32, #tpu.memory_space<hbm>> -> memref<128x64xf32, #tpu.memory_space<hbm>>
    %dma_start3A_651 = arith.constant 0 : i32
    %dma_start3A_652 = arith.constant 0 : i32
    %dma_start3A_653 = tpu.memref_slice %arg7[%dma_start3A_640, %dma_start3A_651, %dma_start3A_652] : memref<4x128x64xf32, #tpu.memory_space<vmem>> -> memref<1x128x64xf32, #tpu.memory_space<vmem>>
    %dma_start3A_654 = tpu.memref_squeeze %dma_start3A_653 : memref<1x128x64xf32, #tpu.memory_space<vmem>> -> memref<128x64xf32, #tpu.memory_space<vmem>>
    tpu.enqueue_dma source(%dma_start3A_654 : memref<128x64xf32, #tpu.memory_space<vmem>>) target(%dma_start3A_650 : memref<128x64xf32, #tpu.memory_space<hbm>>) target_semaphore(%arg16 : memref<!tpu.dma_semaphore, #tpu.memory_space<semaphore_mem>>)
    %dma_wait3A_655 = arith.constant 2 : i32
    %dma_wait3A_656 = arith.constant 0 : i32
    %dma_wait3A_657 = arith.constant 0 : i32
    %dma_wait3A_658 = tpu.memref_slice %arg7[%dma_wait3A_655, %dma_wait3A_656, %dma_wait3A_657] : memref<4x128x64xf32, #tpu.memory_space<vmem>> -> memref<1x128x64xf32, #tpu.memory_space<vmem>>
    %dma_wait3A_659 = tpu.memref_squeeze %dma_wait3A_658 : memref<1x128x64xf32, #tpu.memory_space<vmem>> -> memref<128x64xf32, #tpu.memory_space<vmem>>
    %dma_wait3A_660 = arith.constant 0 : i32
    %dma_wait3A_661 = tpu.memref_slice %arg5[%select_n3A, %add3A_587, %dma_wait3A_660] : memref<4x16384x64xf32, #tpu.memory_space<hbm>> -> memref<1x128x64xf32, #tpu.memory_space<hbm>>
    %dma_wait3A_662 = tpu.memref_squeeze %dma_wait3A_661 : memref<1x128x64xf32, #tpu.memory_space<hbm>> -> memref<128x64xf32, #tpu.memory_space<hbm>>
    %dma_wait3A_663 = arith.constant 0 : i32
    %dma_wait3A_664 = tpu.memref_slice %arg5[%select_n3A, %add3A_587, %dma_wait3A_663] : memref<4x16384x64xf32, #tpu.memory_space<hbm>> -> memref<1x128x64xf32, #tpu.memory_space<hbm>>
    %dma_wait3A_665 = tpu.memref_squeeze %dma_wait3A_664 : memref<1x128x64xf32, #tpu.memory_space<hbm>> -> memref<128x64xf32, #tpu.memory_space<hbm>>
    %dma_wait3A_666 = arith.constant 0 : i32
    %dma_wait3A_667 = arith.constant 0 : i32
    %dma_wait3A_668 = tpu.memref_slice %arg7[%dma_wait3A_655, %dma_wait3A_666, %dma_wait3A_667] : memref<4x128x64xf32, #tpu.memory_space<vmem>> -> memref<1x128x64xf32, #tpu.memory_space<vmem>>
    %dma_wait3A_669 = tpu.memref_squeeze %dma_wait3A_668 : memref<1x128x64xf32, #tpu.memory_space<vmem>> -> memref<128x64xf32, #tpu.memory_space<vmem>>
    tpu.wait_dma2 semaphore(%arg15 : memref<!tpu.dma_semaphore, #tpu.memory_space<semaphore_mem>>) src(%dma_wait3A_669 : memref<128x64xf32, #tpu.memory_space<vmem>>) dst(%dma_wait3A_665 : memref<128x64xf32, #tpu.memory_space<hbm>>)
    %dma_start3A_670 = arith.constant 2 : i32
    %dma_start3A_671 = arith.constant 0 : i32
    %dma_start3A_672 = arith.constant 0 : i32
    %dma_start3A_673 = tpu.memref_slice %arg7[%dma_start3A_670, %dma_start3A_671, %dma_start3A_672] : memref<4x128x64xf32, #tpu.memory_space<vmem>> -> memref<1x128x64xf32, #tpu.memory_space<vmem>>
    %dma_start3A_674 = tpu.memref_squeeze %dma_start3A_673 : memref<1x128x64xf32, #tpu.memory_space<vmem>> -> memref<128x64xf32, #tpu.memory_space<vmem>>
    %dma_start3A_675 = arith.constant 1792 : i32
    %dma_start3A_676 = tpu.memref_slice %arg6[%dma_start3A_675] : memref<2048xi32, #tpu.memory_space<vmem>> -> memref<128xi32, #tpu.memory_space<vmem>>
    %dma_start3A_677 = arith.constant 0 : i32
    %dma_start3A_678 = arith.constant 0 : i32
    %dma_start3A_679 = tpu.memref_slice %arg3[%dma_start3A_677, %dma_start3A_678] : memref<800334x64xf32, #tpu.memory_space<hbm>> -> memref<800334x64xf32, #tpu.memory_space<hbm>>
    tpu.enqueue_indirect_dma source(%dma_start3A_679 : memref<800334x64xf32, #tpu.memory_space<hbm>>) target(%dma_start3A_674 : memref<128x64xf32, #tpu.memory_space<vmem>>) offsets(%dma_start3A_676 : memref<128xi32, #tpu.memory_space<vmem>>) semaphore(%arg11 : memref<!tpu.dma_semaphore, #tpu.memory_space<semaphore_mem>>)
    %dma_wait3A_680 = arith.constant 0 : i32
    %dma_wait3A_681 = arith.constant 0 : i32
    %dma_wait3A_682 = arith.constant 0 : i32
    %dma_wait3A_683 = tpu.memref_slice %arg7[%dma_wait3A_680, %dma_wait3A_681, %dma_wait3A_682] : memref<4x128x64xf32, #tpu.memory_space<vmem>> -> memref<1x128x64xf32, #tpu.memory_space<vmem>>
    %dma_wait3A_684 = tpu.memref_squeeze %dma_wait3A_683 : memref<1x128x64xf32, #tpu.memory_space<vmem>> -> memref<128x64xf32, #tpu.memory_space<vmem>>
    %dma_wait3A_685 = arith.constant 1536 : i32
    %dma_wait3A_686 = tpu.memref_slice %arg6[%dma_wait3A_685] : memref<2048xi32, #tpu.memory_space<vmem>> -> memref<128xi32, #tpu.memory_space<vmem>>
    %dma_wait3A_687 = arith.constant 0 : i32
    %dma_wait3A_688 = arith.constant 0 : i32
    %dma_wait3A_689 = tpu.memref_slice %arg3[%dma_wait3A_687, %dma_wait3A_688] : memref<800334x64xf32, #tpu.memory_space<hbm>> -> memref<800334x64xf32, #tpu.memory_space<hbm>>
    tpu.wait_indirect_dma semaphore(%arg9 : memref<!tpu.dma_semaphore, #tpu.memory_space<semaphore_mem>>) src(%dma_wait3A_689 : memref<800334x64xf32, #tpu.memory_space<hbm>>) dst(%dma_wait3A_684 : memref<128x64xf32, #tpu.memory_space<vmem>>)
    %add3A_690 = arith.constant 1536 : i32
    %add3A_691 = arith.addi %mul3A_34, %add3A_690 : i32
    %dma_start3A_692 = arith.constant 0 : i32
    %dma_start3A_693 = arith.constant 0 : i32
    %dma_start3A_694 = arith.constant 0 : i32
    %dma_start3A_695 = tpu.memref_slice %arg7[%dma_start3A_692, %dma_start3A_693, %dma_start3A_694] : memref<4x128x64xf32, #tpu.memory_space<vmem>> -> memref<1x128x64xf32, #tpu.memory_space<vmem>>
    %dma_start3A_696 = tpu.memref_squeeze %dma_start3A_695 : memref<1x128x64xf32, #tpu.memory_space<vmem>> -> memref<128x64xf32, #tpu.memory_space<vmem>>
    %dma_start3A_697 = arith.constant 0 : i32
    %dma_start3A_698 = tpu.memref_slice %arg5[%select_n3A, %add3A_691, %dma_start3A_697] : memref<4x16384x64xf32, #tpu.memory_space<hbm>> -> memref<1x128x64xf32, #tpu.memory_space<hbm>>
    %dma_start3A_699 = tpu.memref_squeeze %dma_start3A_698 : memref<1x128x64xf32, #tpu.memory_space<hbm>> -> memref<128x64xf32, #tpu.memory_space<hbm>>
    %dma_start3A_700 = arith.constant 0 : i32
    %dma_start3A_701 = tpu.memref_slice %arg5[%select_n3A, %add3A_691, %dma_start3A_700] : memref<4x16384x64xf32, #tpu.memory_space<hbm>> -> memref<1x128x64xf32, #tpu.memory_space<hbm>>
    %dma_start3A_702 = tpu.memref_squeeze %dma_start3A_701 : memref<1x128x64xf32, #tpu.memory_space<hbm>> -> memref<128x64xf32, #tpu.memory_space<hbm>>
    %dma_start3A_703 = arith.constant 0 : i32
    %dma_start3A_704 = arith.constant 0 : i32
    %dma_start3A_705 = tpu.memref_slice %arg7[%dma_start3A_692, %dma_start3A_703, %dma_start3A_704] : memref<4x128x64xf32, #tpu.memory_space<vmem>> -> memref<1x128x64xf32, #tpu.memory_space<vmem>>
    %dma_start3A_706 = tpu.memref_squeeze %dma_start3A_705 : memref<1x128x64xf32, #tpu.memory_space<vmem>> -> memref<128x64xf32, #tpu.memory_space<vmem>>
    tpu.enqueue_dma source(%dma_start3A_706 : memref<128x64xf32, #tpu.memory_space<vmem>>) target(%dma_start3A_702 : memref<128x64xf32, #tpu.memory_space<hbm>>) target_semaphore(%arg13 : memref<!tpu.dma_semaphore, #tpu.memory_space<semaphore_mem>>)
    %dma_wait3A_707 = arith.constant 3 : i32
    %dma_wait3A_708 = arith.constant 0 : i32
    %dma_wait3A_709 = arith.constant 0 : i32
    %dma_wait3A_710 = tpu.memref_slice %arg7[%dma_wait3A_707, %dma_wait3A_708, %dma_wait3A_709] : memref<4x128x64xf32, #tpu.memory_space<vmem>> -> memref<1x128x64xf32, #tpu.memory_space<vmem>>
    %dma_wait3A_711 = tpu.memref_squeeze %dma_wait3A_710 : memref<1x128x64xf32, #tpu.memory_space<vmem>> -> memref<128x64xf32, #tpu.memory_space<vmem>>
    %dma_wait3A_712 = arith.constant 0 : i32
    %dma_wait3A_713 = tpu.memref_slice %arg5[%select_n3A, %add3A_639, %dma_wait3A_712] : memref<4x16384x64xf32, #tpu.memory_space<hbm>> -> memref<1x128x64xf32, #tpu.memory_space<hbm>>
    %dma_wait3A_714 = tpu.memref_squeeze %dma_wait3A_713 : memref<1x128x64xf32, #tpu.memory_space<hbm>> -> memref<128x64xf32, #tpu.memory_space<hbm>>
    %dma_wait3A_715 = arith.constant 0 : i32
    %dma_wait3A_716 = tpu.memref_slice %arg5[%select_n3A, %add3A_639, %dma_wait3A_715] : memref<4x16384x64xf32, #tpu.memory_space<hbm>> -> memref<1x128x64xf32, #tpu.memory_space<hbm>>
    %dma_wait3A_717 = tpu.memref_squeeze %dma_wait3A_716 : memref<1x128x64xf32, #tpu.memory_space<hbm>> -> memref<128x64xf32, #tpu.memory_space<hbm>>
    %dma_wait3A_718 = arith.constant 0 : i32
    %dma_wait3A_719 = arith.constant 0 : i32
    %dma_wait3A_720 = tpu.memref_slice %arg7[%dma_wait3A_707, %dma_wait3A_718, %dma_wait3A_719] : memref<4x128x64xf32, #tpu.memory_space<vmem>> -> memref<1x128x64xf32, #tpu.memory_space<vmem>>
    %dma_wait3A_721 = tpu.memref_squeeze %dma_wait3A_720 : memref<1x128x64xf32, #tpu.memory_space<vmem>> -> memref<128x64xf32, #tpu.memory_space<vmem>>
    tpu.wait_dma2 semaphore(%arg16 : memref<!tpu.dma_semaphore, #tpu.memory_space<semaphore_mem>>) src(%dma_wait3A_721 : memref<128x64xf32, #tpu.memory_space<vmem>>) dst(%dma_wait3A_717 : memref<128x64xf32, #tpu.memory_space<hbm>>)
    %dma_start3A_722 = arith.constant 3 : i32
    %dma_start3A_723 = arith.constant 0 : i32
    %dma_start3A_724 = arith.constant 0 : i32
    %dma_start3A_725 = tpu.memref_slice %arg7[%dma_start3A_722, %dma_start3A_723, %dma_start3A_724] : memref<4x128x64xf32, #tpu.memory_space<vmem>> -> memref<1x128x64xf32, #tpu.memory_space<vmem>>
    %dma_start3A_726 = tpu.memref_squeeze %dma_start3A_725 : memref<1x128x64xf32, #tpu.memory_space<vmem>> -> memref<128x64xf32, #tpu.memory_space<vmem>>
    %dma_start3A_727 = arith.constant 1920 : i32
    %dma_start3A_728 = tpu.memref_slice %arg6[%dma_start3A_727] : memref<2048xi32, #tpu.memory_space<vmem>> -> memref<128xi32, #tpu.memory_space<vmem>>
    %dma_start3A_729 = arith.constant 0 : i32
    %dma_start3A_730 = arith.constant 0 : i32
    %dma_start3A_731 = tpu.memref_slice %arg3[%dma_start3A_729, %dma_start3A_730] : memref<800334x64xf32, #tpu.memory_space<hbm>> -> memref<800334x64xf32, #tpu.memory_space<hbm>>
    tpu.enqueue_indirect_dma source(%dma_start3A_731 : memref<800334x64xf32, #tpu.memory_space<hbm>>) target(%dma_start3A_726 : memref<128x64xf32, #tpu.memory_space<vmem>>) offsets(%dma_start3A_728 : memref<128xi32, #tpu.memory_space<vmem>>) semaphore(%arg12 : memref<!tpu.dma_semaphore, #tpu.memory_space<semaphore_mem>>)
    %dma_wait3A_732 = arith.constant 1 : i32
    %dma_wait3A_733 = arith.constant 0 : i32
    %dma_wait3A_734 = arith.constant 0 : i32
    %dma_wait3A_735 = tpu.memref_slice %arg7[%dma_wait3A_732, %dma_wait3A_733, %dma_wait3A_734] : memref<4x128x64xf32, #tpu.memory_space<vmem>> -> memref<1x128x64xf32, #tpu.memory_space<vmem>>
    %dma_wait3A_736 = tpu.memref_squeeze %dma_wait3A_735 : memref<1x128x64xf32, #tpu.memory_space<vmem>> -> memref<128x64xf32, #tpu.memory_space<vmem>>
    %dma_wait3A_737 = arith.constant 1664 : i32
    %dma_wait3A_738 = tpu.memref_slice %arg6[%dma_wait3A_737] : memref<2048xi32, #tpu.memory_space<vmem>> -> memref<128xi32, #tpu.memory_space<vmem>>
    %dma_wait3A_739 = arith.constant 0 : i32
    %dma_wait3A_740 = arith.constant 0 : i32
    %dma_wait3A_741 = tpu.memref_slice %arg3[%dma_wait3A_739, %dma_wait3A_740] : memref<800334x64xf32, #tpu.memory_space<hbm>> -> memref<800334x64xf32, #tpu.memory_space<hbm>>
    tpu.wait_indirect_dma semaphore(%arg10 : memref<!tpu.dma_semaphore, #tpu.memory_space<semaphore_mem>>) src(%dma_wait3A_741 : memref<800334x64xf32, #tpu.memory_space<hbm>>) dst(%dma_wait3A_736 : memref<128x64xf32, #tpu.memory_space<vmem>>)
    %add3A_742 = arith.constant 1664 : i32
    %add3A_743 = arith.addi %mul3A_34, %add3A_742 : i32
    %dma_start3A_744 = arith.constant 1 : i32
    %dma_start3A_745 = arith.constant 0 : i32
    %dma_start3A_746 = arith.constant 0 : i32
    %dma_start3A_747 = tpu.memref_slice %arg7[%dma_start3A_744, %dma_start3A_745, %dma_start3A_746] : memref<4x128x64xf32, #tpu.memory_space<vmem>> -> memref<1x128x64xf32, #tpu.memory_space<vmem>>
    %dma_start3A_748 = tpu.memref_squeeze %dma_start3A_747 : memref<1x128x64xf32, #tpu.memory_space<vmem>> -> memref<128x64xf32, #tpu.memory_space<vmem>>
    %dma_start3A_749 = arith.constant 0 : i32
    %dma_start3A_750 = tpu.memref_slice %arg5[%select_n3A, %add3A_743, %dma_start3A_749] : memref<4x16384x64xf32, #tpu.memory_space<hbm>> -> memref<1x128x64xf32, #tpu.memory_space<hbm>>
    %dma_start3A_751 = tpu.memref_squeeze %dma_start3A_750 : memref<1x128x64xf32, #tpu.memory_space<hbm>> -> memref<128x64xf32, #tpu.memory_space<hbm>>
    %dma_start3A_752 = arith.constant 0 : i32
    %dma_start3A_753 = tpu.memref_slice %arg5[%select_n3A, %add3A_743, %dma_start3A_752] : memref<4x16384x64xf32, #tpu.memory_space<hbm>> -> memref<1x128x64xf32, #tpu.memory_space<hbm>>
    %dma_start3A_754 = tpu.memref_squeeze %dma_start3A_753 : memref<1x128x64xf32, #tpu.memory_space<hbm>> -> memref<128x64xf32, #tpu.memory_space<hbm>>
    %dma_start3A_755 = arith.constant 0 : i32
    %dma_start3A_756 = arith.constant 0 : i32
    %dma_start3A_757 = tpu.memref_slice %arg7[%dma_start3A_744, %dma_start3A_755, %dma_start3A_756] : memref<4x128x64xf32, #tpu.memory_space<vmem>> -> memref<1x128x64xf32, #tpu.memory_space<vmem>>
    %dma_start3A_758 = tpu.memref_squeeze %dma_start3A_757 : memref<1x128x64xf32, #tpu.memory_space<vmem>> -> memref<128x64xf32, #tpu.memory_space<vmem>>
    tpu.enqueue_dma source(%dma_start3A_758 : memref<128x64xf32, #tpu.memory_space<vmem>>) target(%dma_start3A_754 : memref<128x64xf32, #tpu.memory_space<hbm>>) target_semaphore(%arg14 : memref<!tpu.dma_semaphore, #tpu.memory_space<semaphore_mem>>)
    %dma_wait3A_759 = arith.constant 2 : i32
    %dma_wait3A_760 = arith.constant 0 : i32
    %dma_wait3A_761 = arith.constant 0 : i32
    %dma_wait3A_762 = tpu.memref_slice %arg7[%dma_wait3A_759, %dma_wait3A_760, %dma_wait3A_761] : memref<4x128x64xf32, #tpu.memory_space<vmem>> -> memref<1x128x64xf32, #tpu.memory_space<vmem>>
    %dma_wait3A_763 = tpu.memref_squeeze %dma_wait3A_762 : memref<1x128x64xf32, #tpu.memory_space<vmem>> -> memref<128x64xf32, #tpu.memory_space<vmem>>
    %dma_wait3A_764 = arith.constant 1792 : i32
    %dma_wait3A_765 = tpu.memref_slice %arg6[%dma_wait3A_764] : memref<2048xi32, #tpu.memory_space<vmem>> -> memref<128xi32, #tpu.memory_space<vmem>>
    %dma_wait3A_766 = arith.constant 0 : i32
    %dma_wait3A_767 = arith.constant 0 : i32
    %dma_wait3A_768 = tpu.memref_slice %arg3[%dma_wait3A_766, %dma_wait3A_767] : memref<800334x64xf32, #tpu.memory_space<hbm>> -> memref<800334x64xf32, #tpu.memory_space<hbm>>
    tpu.wait_indirect_dma semaphore(%arg11 : memref<!tpu.dma_semaphore, #tpu.memory_space<semaphore_mem>>) src(%dma_wait3A_768 : memref<800334x64xf32, #tpu.memory_space<hbm>>) dst(%dma_wait3A_763 : memref<128x64xf32, #tpu.memory_space<vmem>>)
    %add3A_769 = arith.constant 1792 : i32
    %add3A_770 = arith.addi %mul3A_34, %add3A_769 : i32
    %dma_start3A_771 = arith.constant 2 : i32
    %dma_start3A_772 = arith.constant 0 : i32
    %dma_start3A_773 = arith.constant 0 : i32
    %dma_start3A_774 = tpu.memref_slice %arg7[%dma_start3A_771, %dma_start3A_772, %dma_start3A_773] : memref<4x128x64xf32, #tpu.memory_space<vmem>> -> memref<1x128x64xf32, #tpu.memory_space<vmem>>
    %dma_start3A_775 = tpu.memref_squeeze %dma_start3A_774 : memref<1x128x64xf32, #tpu.memory_space<vmem>> -> memref<128x64xf32, #tpu.memory_space<vmem>>
    %dma_start3A_776 = arith.constant 0 : i32
    %dma_start3A_777 = tpu.memref_slice %arg5[%select_n3A, %add3A_770, %dma_start3A_776] : memref<4x16384x64xf32, #tpu.memory_space<hbm>> -> memref<1x128x64xf32, #tpu.memory_space<hbm>>
    %dma_start3A_778 = tpu.memref_squeeze %dma_start3A_777 : memref<1x128x64xf32, #tpu.memory_space<hbm>> -> memref<128x64xf32, #tpu.memory_space<hbm>>
    %dma_start3A_779 = arith.constant 0 : i32
    %dma_start3A_780 = tpu.memref_slice %arg5[%select_n3A, %add3A_770, %dma_start3A_779] : memref<4x16384x64xf32, #tpu.memory_space<hbm>> -> memref<1x128x64xf32, #tpu.memory_space<hbm>>
    %dma_start3A_781 = tpu.memref_squeeze %dma_start3A_780 : memref<1x128x64xf32, #tpu.memory_space<hbm>> -> memref<128x64xf32, #tpu.memory_space<hbm>>
    %dma_start3A_782 = arith.constant 0 : i32
    %dma_start3A_783 = arith.constant 0 : i32
    %dma_start3A_784 = tpu.memref_slice %arg7[%dma_start3A_771, %dma_start3A_782, %dma_start3A_783] : memref<4x128x64xf32, #tpu.memory_space<vmem>> -> memref<1x128x64xf32, #tpu.memory_space<vmem>>
    %dma_start3A_785 = tpu.memref_squeeze %dma_start3A_784 : memref<1x128x64xf32, #tpu.memory_space<vmem>> -> memref<128x64xf32, #tpu.memory_space<vmem>>
    tpu.enqueue_dma source(%dma_start3A_785 : memref<128x64xf32, #tpu.memory_space<vmem>>) target(%dma_start3A_781 : memref<128x64xf32, #tpu.memory_space<hbm>>) target_semaphore(%arg15 : memref<!tpu.dma_semaphore, #tpu.memory_space<semaphore_mem>>)
    %dma_wait3A_786 = arith.constant 3 : i32
    %dma_wait3A_787 = arith.constant 0 : i32
    %dma_wait3A_788 = arith.constant 0 : i32
    %dma_wait3A_789 = tpu.memref_slice %arg7[%dma_wait3A_786, %dma_wait3A_787, %dma_wait3A_788] : memref<4x128x64xf32, #tpu.memory_space<vmem>> -> memref<1x128x64xf32, #tpu.memory_space<vmem>>
    %dma_wait3A_790 = tpu.memref_squeeze %dma_wait3A_789 : memref<1x128x64xf32, #tpu.memory_space<vmem>> -> memref<128x64xf32, #tpu.memory_space<vmem>>
    %dma_wait3A_791 = arith.constant 1920 : i32
    %dma_wait3A_792 = tpu.memref_slice %arg6[%dma_wait3A_791] : memref<2048xi32, #tpu.memory_space<vmem>> -> memref<128xi32, #tpu.memory_space<vmem>>
    %dma_wait3A_793 = arith.constant 0 : i32
    %dma_wait3A_794 = arith.constant 0 : i32
    %dma_wait3A_795 = tpu.memref_slice %arg3[%dma_wait3A_793, %dma_wait3A_794] : memref<800334x64xf32, #tpu.memory_space<hbm>> -> memref<800334x64xf32, #tpu.memory_space<hbm>>
    tpu.wait_indirect_dma semaphore(%arg12 : memref<!tpu.dma_semaphore, #tpu.memory_space<semaphore_mem>>) src(%dma_wait3A_795 : memref<800334x64xf32, #tpu.memory_space<hbm>>) dst(%dma_wait3A_790 : memref<128x64xf32, #tpu.memory_space<vmem>>)
    %add3A_796 = arith.constant 1920 : i32
    %add3A_797 = arith.addi %mul3A_34, %add3A_796 : i32
    %dma_start3A_798 = arith.constant 3 : i32
    %dma_start3A_799 = arith.constant 0 : i32
    %dma_start3A_800 = arith.constant 0 : i32
    %dma_start3A_801 = tpu.memref_slice %arg7[%dma_start3A_798, %dma_start3A_799, %dma_start3A_800] : memref<4x128x64xf32, #tpu.memory_space<vmem>> -> memref<1x128x64xf32, #tpu.memory_space<vmem>>
    %dma_start3A_802 = tpu.memref_squeeze %dma_start3A_801 : memref<1x128x64xf32, #tpu.memory_space<vmem>> -> memref<128x64xf32, #tpu.memory_space<vmem>>
    %dma_start3A_803 = arith.constant 0 : i32
    %dma_start3A_804 = tpu.memref_slice %arg5[%select_n3A, %add3A_797, %dma_start3A_803] : memref<4x16384x64xf32, #tpu.memory_space<hbm>> -> memref<1x128x64xf32, #tpu.memory_space<hbm>>
    %dma_start3A_805 = tpu.memref_squeeze %dma_start3A_804 : memref<1x128x64xf32, #tpu.memory_space<hbm>> -> memref<128x64xf32, #tpu.memory_space<hbm>>
    %dma_start3A_806 = arith.constant 0 : i32
    %dma_start3A_807 = tpu.memref_slice %arg5[%select_n3A, %add3A_797, %dma_start3A_806] : memref<4x16384x64xf32, #tpu.memory_space<hbm>> -> memref<1x128x64xf32, #tpu.memory_space<hbm>>
    %dma_start3A_808 = tpu.memref_squeeze %dma_start3A_807 : memref<1x128x64xf32, #tpu.memory_space<hbm>> -> memref<128x64xf32, #tpu.memory_space<hbm>>
    %dma_start3A_809 = arith.constant 0 : i32
    %dma_start3A_810 = arith.constant 0 : i32
    %dma_start3A_811 = tpu.memref_slice %arg7[%dma_start3A_798, %dma_start3A_809, %dma_start3A_810] : memref<4x128x64xf32, #tpu.memory_space<vmem>> -> memref<1x128x64xf32, #tpu.memory_space<vmem>>
    %dma_start3A_812 = tpu.memref_squeeze %dma_start3A_811 : memref<1x128x64xf32, #tpu.memory_space<vmem>> -> memref<128x64xf32, #tpu.memory_space<vmem>>
    tpu.enqueue_dma source(%dma_start3A_812 : memref<128x64xf32, #tpu.memory_space<vmem>>) target(%dma_start3A_808 : memref<128x64xf32, #tpu.memory_space<hbm>>) target_semaphore(%arg16 : memref<!tpu.dma_semaphore, #tpu.memory_space<semaphore_mem>>)
    %dma_wait3A_813 = arith.constant 0 : i32
    %dma_wait3A_814 = arith.constant 0 : i32
    %dma_wait3A_815 = arith.constant 0 : i32
    %dma_wait3A_816 = tpu.memref_slice %arg7[%dma_wait3A_813, %dma_wait3A_814, %dma_wait3A_815] : memref<4x128x64xf32, #tpu.memory_space<vmem>> -> memref<1x128x64xf32, #tpu.memory_space<vmem>>
    %dma_wait3A_817 = tpu.memref_squeeze %dma_wait3A_816 : memref<1x128x64xf32, #tpu.memory_space<vmem>> -> memref<128x64xf32, #tpu.memory_space<vmem>>
    %dma_wait3A_818 = arith.constant 0 : i32
    %dma_wait3A_819 = tpu.memref_slice %arg5[%select_n3A, %add3A_691, %dma_wait3A_818] : memref<4x16384x64xf32, #tpu.memory_space<hbm>> -> memref<1x128x64xf32, #tpu.memory_space<hbm>>
    %dma_wait3A_820 = tpu.memref_squeeze %dma_wait3A_819 : memref<1x128x64xf32, #tpu.memory_space<hbm>> -> memref<128x64xf32, #tpu.memory_space<hbm>>
    %dma_wait3A_821 = arith.constant 0 : i32
    %dma_wait3A_822 = tpu.memref_slice %arg5[%select_n3A, %add3A_691, %dma_wait3A_821] : memref<4x16384x64xf32, #tpu.memory_space<hbm>> -> memref<1x128x64xf32, #tpu.memory_space<hbm>>
    %dma_wait3A_823 = tpu.memref_squeeze %dma_wait3A_822 : memref<1x128x64xf32, #tpu.memory_space<hbm>> -> memref<128x64xf32, #tpu.memory_space<hbm>>
    %dma_wait3A_824 = arith.constant 0 : i32
    %dma_wait3A_825 = arith.constant 0 : i32
    %dma_wait3A_826 = tpu.memref_slice %arg7[%dma_wait3A_813, %dma_wait3A_824, %dma_wait3A_825] : memref<4x128x64xf32, #tpu.memory_space<vmem>> -> memref<1x128x64xf32, #tpu.memory_space<vmem>>
    %dma_wait3A_827 = tpu.memref_squeeze %dma_wait3A_826 : memref<1x128x64xf32, #tpu.memory_space<vmem>> -> memref<128x64xf32, #tpu.memory_space<vmem>>
    tpu.wait_dma2 semaphore(%arg13 : memref<!tpu.dma_semaphore, #tpu.memory_space<semaphore_mem>>) src(%dma_wait3A_827 : memref<128x64xf32, #tpu.memory_space<vmem>>) dst(%dma_wait3A_823 : memref<128x64xf32, #tpu.memory_space<hbm>>)
    %dma_wait3A_828 = arith.constant 1 : i32
    %dma_wait3A_829 = arith.constant 0 : i32
    %dma_wait3A_830 = arith.constant 0 : i32
    %dma_wait3A_831 = tpu.memref_slice %arg7[%dma_wait3A_828, %dma_wait3A_829, %dma_wait3A_830] : memref<4x128x64xf32, #tpu.memory_space<vmem>> -> memref<1x128x64xf32, #tpu.memory_space<vmem>>
    %dma_wait3A_832 = tpu.memref_squeeze %dma_wait3A_831 : memref<1x128x64xf32, #tpu.memory_space<vmem>> -> memref<128x64xf32, #tpu.memory_space<vmem>>
    %dma_wait3A_833 = arith.constant 0 : i32
    %dma_wait3A_834 = tpu.memref_slice %arg5[%select_n3A, %add3A_743, %dma_wait3A_833] : memref<4x16384x64xf32, #tpu.memory_space<hbm>> -> memref<1x128x64xf32, #tpu.memory_space<hbm>>
    %dma_wait3A_835 = tpu.memref_squeeze %dma_wait3A_834 : memref<1x128x64xf32, #tpu.memory_space<hbm>> -> memref<128x64xf32, #tpu.memory_space<hbm>>
    %dma_wait3A_836 = arith.constant 0 : i32
    %dma_wait3A_837 = tpu.memref_slice %arg5[%select_n3A, %add3A_743, %dma_wait3A_836] : memref<4x16384x64xf32, #tpu.memory_space<hbm>> -> memref<1x128x64xf32, #tpu.memory_space<hbm>>
    %dma_wait3A_838 = tpu.memref_squeeze %dma_wait3A_837 : memref<1x128x64xf32, #tpu.memory_space<hbm>> -> memref<128x64xf32, #tpu.memory_space<hbm>>
    %dma_wait3A_839 = arith.constant 0 : i32
    %dma_wait3A_840 = arith.constant 0 : i32
    %dma_wait3A_841 = tpu.memref_slice %arg7[%dma_wait3A_828, %dma_wait3A_839, %dma_wait3A_840] : memref<4x128x64xf32, #tpu.memory_space<vmem>> -> memref<1x128x64xf32, #tpu.memory_space<vmem>>
    %dma_wait3A_842 = tpu.memref_squeeze %dma_wait3A_841 : memref<1x128x64xf32, #tpu.memory_space<vmem>> -> memref<128x64xf32, #tpu.memory_space<vmem>>
    tpu.wait_dma2 semaphore(%arg14 : memref<!tpu.dma_semaphore, #tpu.memory_space<semaphore_mem>>) src(%dma_wait3A_842 : memref<128x64xf32, #tpu.memory_space<vmem>>) dst(%dma_wait3A_838 : memref<128x64xf32, #tpu.memory_space<hbm>>)
    %dma_wait3A_843 = arith.constant 2 : i32
    %dma_wait3A_844 = arith.constant 0 : i32
    %dma_wait3A_845 = arith.constant 0 : i32
    %dma_wait3A_846 = tpu.memref_slice %arg7[%dma_wait3A_843, %dma_wait3A_844, %dma_wait3A_845] : memref<4x128x64xf32, #tpu.memory_space<vmem>> -> memref<1x128x64xf32, #tpu.memory_space<vmem>>
    %dma_wait3A_847 = tpu.memref_squeeze %dma_wait3A_846 : memref<1x128x64xf32, #tpu.memory_space<vmem>> -> memref<128x64xf32, #tpu.memory_space<vmem>>
    %dma_wait3A_848 = arith.constant 0 : i32
    %dma_wait3A_849 = tpu.memref_slice %arg5[%select_n3A, %add3A_770, %dma_wait3A_848] : memref<4x16384x64xf32, #tpu.memory_space<hbm>> -> memref<1x128x64xf32, #tpu.memory_space<hbm>>
    %dma_wait3A_850 = tpu.memref_squeeze %dma_wait3A_849 : memref<1x128x64xf32, #tpu.memory_space<hbm>> -> memref<128x64xf32, #tpu.memory_space<hbm>>
    %dma_wait3A_851 = arith.constant 0 : i32
    %dma_wait3A_852 = tpu.memref_slice %arg5[%select_n3A, %add3A_770, %dma_wait3A_851] : memref<4x16384x64xf32, #tpu.memory_space<hbm>> -> memref<1x128x64xf32, #tpu.memory_space<hbm>>
    %dma_wait3A_853 = tpu.memref_squeeze %dma_wait3A_852 : memref<1x128x64xf32, #tpu.memory_space<hbm>> -> memref<128x64xf32, #tpu.memory_space<hbm>>
    %dma_wait3A_854 = arith.constant 0 : i32
    %dma_wait3A_855 = arith.constant 0 : i32
    %dma_wait3A_856 = tpu.memref_slice %arg7[%dma_wait3A_843, %dma_wait3A_854, %dma_wait3A_855] : memref<4x128x64xf32, #tpu.memory_space<vmem>> -> memref<1x128x64xf32, #tpu.memory_space<vmem>>
    %dma_wait3A_857 = tpu.memref_squeeze %dma_wait3A_856 : memref<1x128x64xf32, #tpu.memory_space<vmem>> -> memref<128x64xf32, #tpu.memory_space<vmem>>
    tpu.wait_dma2 semaphore(%arg15 : memref<!tpu.dma_semaphore, #tpu.memory_space<semaphore_mem>>) src(%dma_wait3A_857 : memref<128x64xf32, #tpu.memory_space<vmem>>) dst(%dma_wait3A_853 : memref<128x64xf32, #tpu.memory_space<hbm>>)
    %dma_wait3A_858 = arith.constant 3 : i32
    %dma_wait3A_859 = arith.constant 0 : i32
    %dma_wait3A_860 = arith.constant 0 : i32
    %dma_wait3A_861 = tpu.memref_slice %arg7[%dma_wait3A_858, %dma_wait3A_859, %dma_wait3A_860] : memref<4x128x64xf32, #tpu.memory_space<vmem>> -> memref<1x128x64xf32, #tpu.memory_space<vmem>>
    %dma_wait3A_862 = tpu.memref_squeeze %dma_wait3A_861 : memref<1x128x64xf32, #tpu.memory_space<vmem>> -> memref<128x64xf32, #tpu.memory_space<vmem>>
    %dma_wait3A_863 = arith.constant 0 : i32
    %dma_wait3A_864 = tpu.memref_slice %arg5[%select_n3A, %add3A_797, %dma_wait3A_863] : memref<4x16384x64xf32, #tpu.memory_space<hbm>> -> memref<1x128x64xf32, #tpu.memory_space<hbm>>
    %dma_wait3A_865 = tpu.memref_squeeze %dma_wait3A_864 : memref<1x128x64xf32, #tpu.memory_space<hbm>> -> memref<128x64xf32, #tpu.memory_space<hbm>>
    %dma_wait3A_866 = arith.constant 0 : i32
    %dma_wait3A_867 = tpu.memref_slice %arg5[%select_n3A, %add3A_797, %dma_wait3A_866] : memref<4x16384x64xf32, #tpu.memory_space<hbm>> -> memref<1x128x64xf32, #tpu.memory_space<hbm>>
    %dma_wait3A_868 = tpu.memref_squeeze %dma_wait3A_867 : memref<1x128x64xf32, #tpu.memory_space<hbm>> -> memref<128x64xf32, #tpu.memory_space<hbm>>
    %dma_wait3A_869 = arith.constant 0 : i32
    %dma_wait3A_870 = arith.constant 0 : i32
    %dma_wait3A_871 = tpu.memref_slice %arg7[%dma_wait3A_858, %dma_wait3A_869, %dma_wait3A_870] : memref<4x128x64xf32, #tpu.memory_space<vmem>> -> memref<1x128x64xf32, #tpu.memory_space<vmem>>
    %dma_wait3A_872 = tpu.memref_squeeze %dma_wait3A_871 : memref<1x128x64xf32, #tpu.memory_space<vmem>> -> memref<128x64xf32, #tpu.memory_space<vmem>>
    tpu.wait_dma2 semaphore(%arg16 : memref<!tpu.dma_semaphore, #tpu.memory_space<semaphore_mem>>) src(%dma_wait3A_872 : memref<128x64xf32, #tpu.memory_space<vmem>>) dst(%dma_wait3A_868 : memref<128x64xf32, #tpu.memory_space<hbm>>)
    return
  }
}

</mosaic_0001>

<sc_bundles>
// kernel: kernel.3.cloned.1.call-start
scs
__scs_entry_jumppad:
0x0: {  	(pc) =	sbr.rel $0x88, $3  }
0x1: {  	(tag) =	ssettag $0x0;
	lr =	simm.s32 $0x1  }
0x2: {  	[smem:$0x3F9F] =	sst lr;
	_ =	strace $0xD0000000  }
0x3: {  	_ = 	snop  }
0x4: {  	_ = 	snop  }
0x5: {  	_ = 	snop  }
0x6: {  	_ = 	snop  }
0x7: {  	_ = 	snop  }
__scs_overlays_trampoline_lowered:
0x8: {  	[smem:$0x3FAE] =	sst s0  }
0x9: {  	[smem:$0x3FAF] =	sst s1  }
0xa: {  	[smem:$0x3FB0] =	sst s2  }
0xb: {  	[smem:$0x3FB1] =	sst s3  }
0xc: {  	[smem:$0x3FB2] =	sst s4  }
0xd: {  	[smem:$0x3FB3] =	sst s5  }
0xe: {  	[smem:$0x3FB4] =	sst s6  }
0xf: {  	[smem:$0x3FB5] =	sst s7  }
0x10: {  	[smem:$0x3FB6] =	sst s8  }
0x11: {  	[smem:$0x3FB7] =	sst s9;
	s0 =	simm.s32 @!p0 $0x0  }
0x12: {  	s1 =	sld [smem:$0x3F9D];
	s0 =	simm.s32 @p0 $0x1  }
0x13: {  	[smem:$0x3FB8] =	sst s0;
	s0 =	simm.s32 @!p1 $0x0  }
0x14: {  	s2 =	sld [smem:$0x3F9C];
	s0 =	simm.s32 @p1 $0x1  }
0x15: {  	[smem:$0x3FB9] =	sst s0;
	s0 =	simm.s32 @!p2 $0x0  }
0x16: {  	s3 =	sld [smem:$0x3FDB];
	s0 =	simm.s32 @p2 $0x1  }
0x17: {  	s4 =	simm.s32 $0x1BF5;
	[smem:$0x3FBB] =	sst s0  }
0x18: {  	s0 =	sld [smem:$0x3F9E];
	_ =	swait.ge [sflag:s4], $0x0  }
0x19: {  	s7 =	sld [smem:$0x3F9F]  }
0x1a: {  	s8 =	sadd.s32 $0xFFFFE003, lr  }
0x1b: {  	s9 =	sadd.s32 $0xFFFFFEF7, lr;
	s5 =	simm.s32 $0xFFFFFFFF;
	p2 =	slt.u32 s8, $0xFFFFF086  }
0x1c: {  	p1 =	slt.u32 s9, $0xF7A;
	s5 =	simm.s32 @!p2 $0x0  }
0x1d: {  	s5 =	simm.s32 @p1 $0x1;
	p0 =	seq.s32 s7, s2  }
0x1e: {  	s7 =	smul.u32 @!p0 $0xF7A, s2;
	p2 =	seq.s32 @!p0 s5, $0x0  }
0x1f: {  	s9 =	smul.u32 $0xF7A, s1;
	s8 =	simm.s32 @!p0 $0x1BF5;
	p2 =	por !p2, p0  }
0x20: {  	[sflag:s8] =	ssyncset.s32 @!p0 $0xFFFFF086;
	s6 =	sadd.s32 @!p0 s3, s7;
	s7 =	simm.s32 @!p0 $0x108  }
0x21: {  	s3 =	sadd.s32 s3, s9;
	s6 =	sadd.s32 @!p0 $0x88, s6;
	s7 =	simm.s32 @p2 $0x1082  }
0x22: {  	[simem:s7], [sflag:s8] =	dma.local @!p0 [hbm:s6], $0xF7A  }
0x23: {  	s9 =	sor.u32 $0xD0000000, s2;
	s6 =	simm.s32 $0x108;
	_ =	swait.ge @!p0 [sflag:s8], $0x0  }
0x24: {  	s3 =	sadd.s32 $0x88, s3;
	s6 =	simm.s32 @!p1 $0x1082;
	[sflag:s4] =	ssyncset.s32 $0xFFFFF086  }
0x25: {  	[simem:s6], [sflag:s4] =	dma.local [hbm:s3], $0xF7A  }
0x26: {  	[smem:$0x3F9F] =	sst s1;
	(tag) =	ssettag s2;
	_ =	strace s9  }
0x27: {  	s1 =	sld [smem:$0x3FAF]  }
0x28: {  	s2 =	sld [smem:$0x3FB0]  }
0x29: {  	s4 =	sld [smem:$0x3FB2]  }
0x2a: {  	p0 =	seq.s32 s5, $0x0;
	s5 =	sld [smem:$0x3FB3]  }
0x2b: {  	s6 =	sld [smem:$0x3FB4]  }
0x2c: {  	s7 =	sld [smem:$0x3FB5]  }
0x2d: {  	s3 =	simm.s32 $0x108;
	s8 =	sld [smem:$0x3FB6]  }
0x2e: {  	s3 =	simm.s32 @!p0 $0x1082;
	s9 =	sld [smem:$0x3FB7]  }
0x2f: {  	lr =	sadd.s32 s0, s3;
	s0 =	sld [smem:$0x3FAE]  }
0x30: {  	s3 =	sld [smem:$0x3FB1]  }
0x31: {  	[smem:$0x3FBA] =	sst s10  }
0x32: {  	s10 =	sld [smem:$0x3FB8];
	_ =	sdelay $0x3  }
0x33: {  	p0 =	seq.s32 s10, $0x1;
	s10 =	sld [smem:$0x3FBA];
	_ =	sdelay $0x3  }
0x34: {  	[smem:$0x3FBA] =	sst s10  }
0x35: {  	s10 =	sld [smem:$0x3FB9];
	_ =	sdelay $0x3  }
0x36: {  	p1 =	seq.s32 s10, $0x1;
	s10 =	sld [smem:$0x3FBA];
	_ =	sdelay $0x3  }
0x37: {  	[smem:$0x3FBA] =	sst s10  }
0x38: {  	s10 =	sld [smem:$0x3FBB]  }
0x39: {  	_ = 	snop;
	(pc) =	sbr.ind lr, $3  }
0x3a: {  	_ = 	snop  }
0x3b: {  	_ = 	snop  }
0x3c: {  	p2 =	seq.s32 s10, $0x1;
	s10 =	sld [smem:$0x3FBA]  }
0x3d: {  	_ =	shalt  }
0x3e: {  	_ =	shalt  }
0x3f: {  	_ =	shalt  }
0x40: {  	_ =	shalt  }
0x41: {  	_ =	shalt  }
0x42: {  	_ =	shalt  }
0x43: {  	_ =	shalt  }
0x44: {  	_ =	shalt  }
0x45: {  	_ =	shalt  }
0x46: {  	_ =	shalt  }
0x47: {  	_ =	shalt  }
0x48: {  	_ =	shalt  }
0x49: {  	_ =	shalt  }
0x4a: {  	_ =	shalt  }
0x4b: {  	_ =	shalt  }
0x4c: {  	_ =	shalt  }
0x4d: {  	_ =	shalt  }
0x4e: {  	_ =	shalt  }
0x4f: {  	_ =	shalt  }
0x50: {  	_ =	shalt  }
0x51: {  	_ =	shalt  }
0x52: {  	_ =	shalt  }
0x53: {  	_ =	shalt  }
0x54: {  	_ =	shalt  }
0x55: {  	_ =	shalt  }
0x56: {  	_ =	shalt  }
0x57: {  	_ =	shalt  }
0x58: {  	_ =	shalt  }
0x59: {  	_ =	shalt  }
0x5a: {  	_ =	shalt  }
0x5b: {  	_ =	shalt  }
0x5c: {  	_ =	shalt  }
0x5d: {  	_ =	shalt  }
0x5e: {  	_ =	shalt  }
0x5f: {  	_ =	shalt  }
0x60: {  	_ =	shalt  }
0x61: {  	_ =	shalt  }
0x62: {  	_ =	shalt  }
0x63: {  	_ =	shalt  }
0x64: {  	_ =	shalt  }
0x65: {  	_ =	shalt  }
0x66: {  	_ =	shalt  }
0x67: {  	_ =	shalt  }
0x68: {  	_ =	shalt  }
0x69: {  	_ =	shalt  }
0x6a: {  	_ =	shalt  }
0x6b: {  	_ =	shalt  }
0x6c: {  	_ =	shalt  }
0x6d: {  	_ =	shalt  }
0x6e: {  	_ =	shalt  }
0x6f: {  	_ =	shalt  }
0x70: {  	_ =	shalt  }
0x71: {  	_ =	shalt  }
0x72: {  	_ =	shalt  }
0x73: {  	_ =	shalt  }
0x74: {  	_ =	shalt  }
0x75: {  	_ =	shalt  }
0x76: {  	_ =	shalt  }
0x77: {  	_ =	shalt  }
0x78: {  	_ =	shalt  }
0x79: {  	_ =	shalt  }
0x7a: {  	_ =	shalt  }
0x7b: {  	_ =	shalt  }
0x7c: {  	_ =	shalt  }
0x7d: {  	_ =	shalt  }
0x7e: {  	_ =	shalt  }
0x7f: {  	_ =	shalt  }
0x80: {  	_ =	shalt  }
0x81: {  	_ =	shalt  }
0x82: {  	_ =	shalt  }
0x83: {  	_ =	shalt  }
0x84: {  	_ =	shalt  }
0x85: {  	_ =	shalt  }
0x86: {  	_ =	shalt  }
0x87: {  	_ =	shalt  }
.Lfunc_end0:
.L_simem_size_0:
called_computation_lowered:
.L_overlay_start_0:
0x88: {  	s2 =	sld [smem:$0x3FD9]  }
0x89: {  	s3 =	sld [smem:$0x3FFE];
	_ =	sdelay $0x1  }
0x8a: {  	s1 =	srdreg.scid  }
0x8b: {  	s0 =	sand.u32 $0x1, s1  }
0x8c: {  	s17 =	sshll.u32 s0, $0xA;
	s2 =	sadd.s32 s3, s2  }
0x8d: {  	s2 =	sadd.s32 s2, s17  }
0x8e: {  	[smem:$0x3FC6] =	sst s2  }
0x8f: {  	_ = 	snop  }
0x90: {  	s2 =	sld [smem:$0x3FD0];
	(tm) =	ssettm $0x1  }
0x91: {  	s18 =	sld [smem:$0x3FFB];
	_ =	sdelay $0x3  }
0x92: {  	_ =	strace s18  }
0x93: {  	s3 =	sld [smem:$0x3FFC];
	_ =	sdelay $0x3  }
0x94: {  	_ =	strace s3  }
0x95: {  	s3 =	sld [smem:$0x3FFD];
	_ =	sdelay $0x3  }
0x96: {  	_ =	strace s3  }
0x97: {  	_ =	strace $0x8FFFFFFF  }
0x98: {  	s19 =	sld [smem:$0x3FDB];
	_ =	sdelay $0x1  }
0x99: {  	s4 =	simm.s32 $_scs_section_size  }
0x9a: {  	s5 =	simm.s32 $_size__tile_overlayer_lowered;
	s6 =	simm.s32 $_tile_overlayer_lowered  }
0x9b: {  	s22 =	simm.s32 $0x1BFF;
	s21 =	sshll.u32 s6, $0x1;
	s3 =	sadd.s32 s4, s19  }
0x9c: {  	s7 =	simm.s32 $0x0;
	s20 =	sshll.u32 s5, $0x1;
	s5 =	sadd.s32 s21, s3  }
0x9d: {  	[timem:s7], [sflag:s22] =	dma.local [hbm:s5], s20  }
0x9e: {  	_ =	swait.ge [sflag:s22], s20  }
0x9f: {  	s4 =	ssub.s32 $0x0, s20;
	[sflag:s22] =	ssyncset.done $0x0  }
0xa0: {  	[sflag:s22] =	ssyncadd.s32 s4;
	_ =	sdelay $0x1  }
0xa1: {  	s23 =	simm.s32 $0x1B8B  }
0xa2: {  	_ =	swait.ge [sflag:s23], $0x1  }
0xa3: {  	[sflag:s23] =	ssyncset.done $0x0  }
0xa4: {  	s25 =	simm.s32 $0x1B8E;
	s24 =	sld [smem:$0x3FFE];
	[sflag:s23] =	ssyncadd.s32 $0xFFFFFFFF  }
0xa5: {  	s26 =	simm.s32 $execute0_lowered;
	[smem:$0x3FD2] =	sst s25  }
0xa6: {  	s5 =	sshll.u32 s26, $0x1;
	_ =	strace $0x80000046;
	[dreg:$0x1] =	wrdreg $0xFFFFFFFF  }
0xa7: {  	s28 =	simm.s32 $_size_execute0_lowered;
	s3 =	sadd.s32 s3, s5;
	[dreg:$0x0] =	wrdreg $0x0  }
0xa8: {  	s5 =	sshll.u32 s28, $0x1;
	[dreg:$0x2] =	wrdreg s3  }
0xa9: {  	[dreg:$0x3] =	wrdreg s5  }
0xaa: {  	[dreg:$0x4] =	wrdreg $0xC0  }
0xab: {  	_ =	task [dreg:s7], $0x5FFFF  }
0xac: {  	[dreg:$0x1] =	wrdreg $0xFFFFFFFF  }
0xad: {  	[dreg:$0x0] =	wrdreg $0x60  }
0xae: {  	[dreg:$0x2] =	wrdreg s24  }
0xaf: {  	[dreg:$0x3] =	wrdreg s2  }
0xb0: {  	[dreg:$0x4] =	wrdreg $0x9  }
0xb1: {  	_ =	task.clear_ibuf [dreg:s7], $0x5FFFF;
	_ =	strace $0x90000046  }
0xb2: {  	s29 =	simm.s32 $0x9;
	_ =	strace $0x80000048  }
0xb3: {  	_ =	swait.ge [sflag:s29], $0x1  }
0xb4: {  	[sflag:s29] =	ssyncadd.s32 $0xFFFFFFFF  }
0xb5: {  	_ =	strace $0x90000048  }
0xb6: {  	_ =	sfence  }
0xb7: {  	s30 =	sld [smem:$0x0];
	_ =	sdelay $0x2  }
0xb8: {  	s31 =	sshll.u32 s1, $0xD;
	s1 =	sshrl.u32 s1, $0x2  }
0xb9: {  	s3 =	sand.u32 $0x4000, s31;
	s1 =	sadd.s32 s1, s30  }
0xba: {  	s0 =	sor.u32 s3, s0;
	s1 =	sshll.u32 s1, $0x11  }
0xbb: {  	s0 =	sor.u32 s1, s0  }
0xbc: {  	s0 =	sadd.s32 $0x8F2B, s0  }
0xbd: {  	[sflag:s0] =	ssyncadd.remote.s32 $0x1  }
0xbe: {  	_ =	sfence.sel $0xFFFF  }
0xbf: {  	[dreg:$0x0] =	wrdreg $0xFFFFFFFF;
	(pc) =	sbr.abs _section_cstart, $3  }
0xc0: {  	[dreg:$0x1] =	wrdreg $0xFFFFFFFF  }
0xc1: {  	_ =	task.clear_ibuf [dreg:s7], $0x2FFFF;
	_ =	strace $0x9FFFFFFF  }
0xc2: {  	(tm) =	ssettm $0x7FFFFFFF  }
0xc3: {  	_ =	shalt  }
tec
execute0_lowered:
.L_overlay_start_1:
0x0: {  	(tag) =	ssettag $0x1  }
0x1: {  	s0 =	rddreg [dreg:$0x0]  }
0x2: {  	s1 =	rddreg [dreg:$0x1]  }
0x3: {  	s2 =	simm.s32 $0x0;
	s3 =	srdreg.scid;
	s6 =	stileid.u32  }
0x4: {  	s28 =	simm.s32 $0x2800;
	s30 =	simm.s32 $0x4800;
	s31 =	simm.s32 $0x1  }
0x5: {  	s29 =	simm.s32 $0x5;
	s8 =	simm.s32 $0x8;
	s9 =	simm.s32 $0x0  }
0x6: {  	[smem:$0x7FF] =	sst s2;
	s4 =	sand.u32 $0x1, s3;
	s18 =	sshll.u32 s6, $0x1  }
0x7: {  	s6 =	sshll.u32 s6, $0xF;
	_ =	strace $0x80000047;
	s3 =	sor.u32 s4, s18  }
0x8: {  	s6 =	sand.u32 $0x60000, s6;
	s4 =	ssub.s32 $0x2, s4;
	s5 =	sshll.u32 s3, $0x8  }
0x9: {  	s3 =	sshll.u32 s3, $0xE;
	s20 =	sshrl.u32 s4, $0x1;
	s7 =	sadd.s32 s5, s0  }
0xa: {  	s19 =	sand.u32 $0x1C000, s3;
	s3 =	sadd.s32 $0xC36E00, s0;
	s0 =	sadd.s32 $0x2800, s0  }
0xb: {  	s5 =	sor.u32 s6, s19;
	[dreg:$0x3] =	wrdreg s0;
	s0 =	ssub.s32 s4, s20  }
0xc: {  	s21 =	sadd.s32 $0x800, s7;
	s4 =	simm.s32 $0x6;
	s6 =	simm.s32 $0x4  }
0xd: {  	s7 =	simm.s32 $0x7;
	s5 =	sadd.s32 s1, s5;
	[dreg:$0x4] =	wrdreg s21  }
0xe: {  	s1 =	simm.s32 $0x6800;
	s22 =	sadd.s32 $0x400, s5;
	s23 =	sadd.s32 $0x800, s5  }
0xf: {  	s24 =	sadd.s32 $0xC00, s5;
	s25 =	sadd.s32 $0x1000, s5;
	s26 =	sadd.s32 $0x1400, s5  }
0x10: {  	s12 =	sadd.s32 $0x1800, s5;
	s13 =	sadd.s32 $0x1C00, s5;
	[dreg:$0x5] =	wrdreg s22  }
0x11: {  	s14 =	sadd.s32 $0x2000, s5;
	s15 =	sadd.s32 $0x2400, s5;
	[dreg:$0x6] =	wrdreg s23  }
0x12: {  	s16 =	sadd.s32 $0x2800, s5;
	s17 =	sadd.s32 $0x2C00, s5;
	[dreg:$0x7] =	wrdreg s24  }
0x13: {  	s18 =	sadd.s32 $0x3000, s5;
	s19 =	sadd.s32 $0x3400, s5;
	[dreg:$0x8] =	wrdreg s25  }
0x14: {  	s20 =	sadd.s32 $0x3800, s5;
	s21 =	sadd.s32 $0x3C00, s5;
	[dreg:$0x9] =	wrdreg s26  }
0x15: {  	s22 =	smax.u32 s0, $0x1;
	s23 =	simm.s32 $0x9;
	s25 =	simm.s32 $0x80  }
0x16: {  	s26 =	simm.s32 $0x800;
	s24 =	simm.s32 $0x2;
	s0 =	simm.s32 $0x3  }
.LBB2_1:
0x17: {  	s10 =	rddreg [dreg:$0x4]  }
0x18: {  	[tilespmem:s2], [sflag:$0x9] =	stream.linear.gather [hbm4b:s10+s2], $0x800, $0x38;
	[tilespmem:$0x8810] =	vst v63  }
0x19: {  	_ =	swait.ge [sflag:s23], $0x800  }
0x1a: {  	[sflag:s23] =	ssyncset.done $0x0  }
0x1b: {  	s11 =	simm.s32 $0x8800;
	s10 =	rddreg [dreg:$0x3];
	[sflag:s23] =	ssyncadd.s32 $0xFFFFF800  }
0x1c: {  	[tilespmem:s11], [sflag:$0x9] =	stream.linear.gather [hbm4b:s10+s2], $0x10, $0x38;
	[tilespmem:$0x8810] =	vst v63  }
0x1d: {  	_ =	swait.ge [sflag:s23], $0x10  }
0x1e: {  	[sflag:s23] =	ssyncset.done $0x0  }
0x1f: {  	[sflag:s23] =	ssyncadd.s32 $0xFFFFFFF0  }
0x20: {  	s10 =	simm.s32 $0x0;
	s11 =	simm.s32 $0x40;
	v0 =	vld [tilespmem:$0x8800]  }
.LBB2_2:
0x21: {  	p0 =	sne.s32 s11, $0x1FC0;
	v1 =	vld [tilespmem:s10+$0x0];
	_ =	sdelay $0x1  }
.Ltmp0:
0x22: {  	(pc) =	sbr.rel @p0 .LBB2_2-.Ltmp0, $3  }
0x23: {  	_ =	sdelay $0x1  }
0x24: {  	v1 =	vadd.s32 v0, v1  }
0x25: {  	[tilespmem:s10+$0x0] =	vst v1;
	s10 =	sshra.s32 s11, $0x2;
	s11 =	sadd.s32 $0x40, s11  }
0x26: {  	v1 =	vld [tilespmem:s10+$0x0];
	_ =	sdelay $0x4  }
0x27: {  	v0 =	vadd.s32 v0, v1  }
0x28: {  	[tilespmem:s10+$0x0] =	vst v0  }
0x29: {  	[tilespmem:s26], [sflag:$0x1] =	stream.indirect.gather [hbm4b:s3+s25], $0x40, s2, s25, $0xb8;
	[tilespmem:$0x8810] =	vst v63  }
0x2a: {  	_ = 	snop  }
0x2b: {  	[tilespmem:s28], [sflag:$0x2] =	stream.indirect.gather [hbm4b:s3+s25], $0x40, s25, s25, $0xb8;
	[tilespmem:$0x8810] =	vst v63  }
0x2c: {  	s11 =	simm.s32 $0x100  }
0x2d: {  	[tilespmem:s30], [sflag:$0x3] =	stream.indirect.gather [hbm4b:s3+s25], $0x40, s11, s25, $0xb8;
	[tilespmem:$0x8810] =	vst v63  }
0x2e: {  	_ =	swait.ge [sflag:s31], $0x2000  }
0x2f: {  	[sflag:s31] =	ssyncset.done $0x0  }
0x30: {  	[sflag:s31] =	ssyncadd.s32 $0xFFFFE000  }
0x31: {  	[hbm4b:s5+s2] =	stream.linear.scatter [tilespmem:s26], [sflag:$0x5], $0x2000, $0x38;
	[tilespmem:$0x8810] =	vst v63  }
0x32: {  	s11 =	simm.s32 $0x180  }
0x33: {  	[tilespmem:s1], [sflag:$0x4] =	stream.indirect.gather [hbm4b:s3+s25], $0x40, s11, s25, $0xb8;
	[tilespmem:$0x8810] =	vst v63  }
0x34: {  	_ =	swait.ge [sflag:s24], $0x2000  }
0x35: {  	[sflag:s24] =	ssyncset.done $0x0  }
0x36: {  	s11 =	rddreg [dreg:$0x5];
	[sflag:s24] =	ssyncadd.s32 $0xFFFFE000  }
0x37: {  	[hbm4b:s11+s2] =	stream.linear.scatter [tilespmem:s28], [sflag:$0x6], $0x2000, $0x38;
	[tilespmem:$0x8810] =	vst v63  }
0x38: {  	_ =	swait.ge [sflag:s29], $0x2000  }
0x39: {  	[sflag:s29] =	ssyncset.done $0x0  }
0x3a: {  	s11 =	simm.s32 $0x200;
	[sflag:s29] =	ssyncadd.s32 $0xFFFFE000  }
0x3b: {  	[tilespmem:s26], [sflag:$0x1] =	stream.indirect.gather [hbm4b:s3+s25], $0x40, s11, s25, $0xb8;
	[tilespmem:$0x8810] =	vst v63  }
0x3c: {  	_ =	swait.ge [sflag:s0], $0x2000  }
0x3d: {  	[sflag:s0] =	ssyncset.done $0x0  }
0x3e: {  	s11 =	rddreg [dreg:$0x6];
	[sflag:s0] =	ssyncadd.s32 $0xFFFFE000  }
0x3f: {  	[hbm4b:s11+s2] =	stream.linear.scatter [tilespmem:s30], [sflag:$0x7], $0x2000, $0x38;
	[tilespmem:$0x8810] =	vst v63  }
0x40: {  	_ =	swait.ge [sflag:s4], $0x2000  }
0x41: {  	[sflag:s4] =	ssyncset.done $0x0  }
0x42: {  	s11 =	simm.s32 $0x280;
	[sflag:s4] =	ssyncadd.s32 $0xFFFFE000  }
0x43: {  	[tilespmem:s28], [sflag:$0x2] =	stream.indirect.gather [hbm4b:s3+s25], $0x40, s11, s25, $0xb8;
	[tilespmem:$0x8810] =	vst v63  }
0x44: {  	_ =	swait.ge [sflag:s6], $0x2000  }
0x45: {  	[sflag:s6] =	ssyncset.done $0x0  }
0x46: {  	s11 =	rddreg [dreg:$0x7];
	[sflag:s6] =	ssyncadd.s32 $0xFFFFE000  }
0x47: {  	[hbm4b:s11+s2] =	stream.linear.scatter [tilespmem:s1], [sflag:$0x8], $0x2000, $0x38;
	[tilespmem:$0x8810] =	vst v63  }
0x48: {  	_ =	swait.ge [sflag:s7], $0x2000  }
0x49: {  	[sflag:s7] =	ssyncset.done $0x0  }
0x4a: {  	s11 =	simm.s32 $0x300;
	[sflag:s7] =	ssyncadd.s32 $0xFFFFE000  }
0x4b: {  	[tilespmem:s30], [sflag:$0x3] =	stream.indirect.gather [hbm4b:s3+s25], $0x40, s11, s25, $0xb8;
	[tilespmem:$0x8810] =	vst v63  }
0x4c: {  	_ =	swait.ge [sflag:s31], $0x2000  }
0x4d: {  	[sflag:s31] =	ssyncset.done $0x0  }
0x4e: {  	s11 =	rddreg [dreg:$0x8];
	[sflag:s31] =	ssyncadd.s32 $0xFFFFE000  }
0x4f: {  	[hbm4b:s11+s2] =	stream.linear.scatter [tilespmem:s26], [sflag:$0x5], $0x2000, $0x38;
	[tilespmem:$0x8810] =	vst v63  }
0x50: {  	_ =	swait.ge [sflag:s8], $0x2000  }
0x51: {  	[sflag:s8] =	ssyncset.done $0x0  }
0x52: {  	s11 =	simm.s32 $0x380;
	[sflag:s8] =	ssyncadd.s32 $0xFFFFE000  }
0x53: {  	[tilespmem:s1], [sflag:$0x4] =	stream.indirect.gather [hbm4b:s3+s25], $0x40, s11, s25, $0xb8;
	[tilespmem:$0x8810] =	vst v63  }
0x54: {  	_ =	swait.ge [sflag:s24], $0x2000  }
0x55: {  	[sflag:s24] =	ssyncset.done $0x0  }
0x56: {  	s11 =	rddreg [dreg:$0x9];
	[sflag:s24] =	ssyncadd.s32 $0xFFFFE000  }
0x57: {  	[hbm4b:s11+s2] =	stream.linear.scatter [tilespmem:s28], [sflag:$0x6], $0x2000, $0x38;
	[tilespmem:$0x8810] =	vst v63  }
0x58: {  	_ =	swait.ge [sflag:s29], $0x2000  }
0x59: {  	[sflag:s29] =	ssyncset.done $0x0  }
0x5a: {  	s11 =	simm.s32 $0x400;
	[sflag:s29] =	ssyncadd.s32 $0xFFFFE000  }
0x5b: {  	[tilespmem:s26], [sflag:$0x1] =	stream.indirect.gather [hbm4b:s3+s25], $0x40, s11, s25, $0xb8;
	[tilespmem:$0x8810] =	vst v63  }
0x5c: {  	_ =	swait.ge [sflag:s0], $0x2000  }
0x5d: {  	[sflag:s0] =	ssyncset.done $0x0  }
0x5e: {  	[sflag:s0] =	ssyncadd.s32 $0xFFFFE000  }
0x5f: {  	[hbm4b:s12+s2] =	stream.linear.scatter [tilespmem:s30], [sflag:$0x7], $0x2000, $0x38;
	[tilespmem:$0x8810] =	vst v63  }
0x60: {  	_ =	swait.ge [sflag:s4], $0x2000  }
0x61: {  	[sflag:s4] =	ssyncset.done $0x0  }
0x62: {  	s11 =	simm.s32 $0x480;
	[sflag:s4] =	ssyncadd.s32 $0xFFFFE000  }
0x63: {  	[tilespmem:s28], [sflag:$0x2] =	stream.indirect.gather [hbm4b:s3+s25], $0x40, s11, s25, $0xb8;
	[tilespmem:$0x8810] =	vst v63  }
0x64: {  	_ =	swait.ge [sflag:s6], $0x2000  }
0x65: {  	[sflag:s6] =	ssyncset.done $0x0  }
0x66: {  	[sflag:s6] =	ssyncadd.s32 $0xFFFFE000  }
0x67: {  	[hbm4b:s13+s2] =	stream.linear.scatter [tilespmem:s1], [sflag:$0x8], $0x2000, $0x38;
	[tilespmem:$0x8810] =	vst v63  }
0x68: {  	_ =	swait.ge [sflag:s7], $0x2000  }
0x69: {  	[sflag:s7] =	ssyncset.done $0x0  }
0x6a: {  	s11 =	simm.s32 $0x500;
	[sflag:s7] =	ssyncadd.s32 $0xFFFFE000  }
0x6b: {  	[tilespmem:s30], [sflag:$0x3] =	stream.indirect.gather [hbm4b:s3+s25], $0x40, s11, s25, $0xb8;
	[tilespmem:$0x8810] =	vst v63  }
0x6c: {  	_ =	swait.ge [sflag:s31], $0x2000  }
0x6d: {  	[sflag:s31] =	ssyncset.done $0x0  }
0x6e: {  	[sflag:s31] =	ssyncadd.s32 $0xFFFFE000  }
0x6f: {  	[hbm4b:s14+s2] =	stream.linear.scatter [tilespmem:s26], [sflag:$0x5], $0x2000, $0x38;
	[tilespmem:$0x8810] =	vst v63  }
0x70: {  	_ =	swait.ge [sflag:s8], $0x2000  }
0x71: {  	[sflag:s8] =	ssyncset.done $0x0  }
0x72: {  	s11 =	simm.s32 $0x580;
	[sflag:s8] =	ssyncadd.s32 $0xFFFFE000  }
0x73: {  	[tilespmem:s1], [sflag:$0x4] =	stream.indirect.gather [hbm4b:s3+s25], $0x40, s11, s25, $0xb8;
	[tilespmem:$0x8810] =	vst v63  }
0x74: {  	_ =	swait.ge [sflag:s24], $0x2000  }
0x75: {  	[sflag:s24] =	ssyncset.done $0x0  }
0x76: {  	[sflag:s24] =	ssyncadd.s32 $0xFFFFE000  }
0x77: {  	[hbm4b:s15+s2] =	stream.linear.scatter [tilespmem:s28], [sflag:$0x6], $0x2000, $0x38;
	[tilespmem:$0x8810] =	vst v63  }
0x78: {  	_ =	swait.ge [sflag:s29], $0x2000  }
0x79: {  	[sflag:s29] =	ssyncset.done $0x0  }
0x7a: {  	s11 =	simm.s32 $0x600;
	[sflag:s29] =	ssyncadd.s32 $0xFFFFE000  }
0x7b: {  	[tilespmem:s26], [sflag:$0x1] =	stream.indirect.gather [hbm4b:s3+s25], $0x40, s11, s25, $0xb8;
	[tilespmem:$0x8810] =	vst v63  }
0x7c: {  	_ =	swait.ge [sflag:s0], $0x2000  }
0x7d: {  	[sflag:s0] =	ssyncset.done $0x0  }
0x7e: {  	[sflag:s0] =	ssyncadd.s32 $0xFFFFE000  }
0x7f: {  	[hbm4b:s16+s2] =	stream.linear.scatter [tilespmem:s30], [sflag:$0x7], $0x2000, $0x38;
	[tilespmem:$0x8810] =	vst v63  }
0x80: {  	_ =	swait.ge [sflag:s4], $0x2000  }
0x81: {  	[sflag:s4] =	ssyncset.done $0x0  }
0x82: {  	s11 =	simm.s32 $0x680;
	[sflag:s4] =	ssyncadd.s32 $0xFFFFE000  }
0x83: {  	[tilespmem:s28], [sflag:$0x2] =	stream.indirect.gather [hbm4b:s3+s25], $0x40, s11, s25, $0xb8;
	[tilespmem:$0x8810] =	vst v63  }
0x84: {  	_ =	swait.ge [sflag:s6], $0x2000  }
0x85: {  	[sflag:s6] =	ssyncset.done $0x0  }
0x86: {  	[sflag:s6] =	ssyncadd.s32 $0xFFFFE000  }
0x87: {  	[hbm4b:s17+s2] =	stream.linear.scatter [tilespmem:s1], [sflag:$0x8], $0x2000, $0x38;
	[tilespmem:$0x8810] =	vst v63  }
0x88: {  	_ =	swait.ge [sflag:s7], $0x2000  }
0x89: {  	[sflag:s7] =	ssyncset.done $0x0  }
0x8a: {  	s11 =	simm.s32 $0x700;
	[sflag:s7] =	ssyncadd.s32 $0xFFFFE000  }
0x8b: {  	[tilespmem:s30], [sflag:$0x3] =	stream.indirect.gather [hbm4b:s3+s25], $0x40, s11, s25, $0xb8;
	[tilespmem:$0x8810] =	vst v63  }
0x8c: {  	_ =	swait.ge [sflag:s31], $0x2000  }
0x8d: {  	[sflag:s31] =	ssyncset.done $0x0  }
0x8e: {  	[sflag:s31] =	ssyncadd.s32 $0xFFFFE000  }
0x8f: {  	[hbm4b:s18+s2] =	stream.linear.scatter [tilespmem:s26], [sflag:$0x5], $0x2000, $0x38;
	[tilespmem:$0x8810] =	vst v63  }
0x90: {  	_ =	swait.ge [sflag:s8], $0x2000  }
0x91: {  	[sflag:s8] =	ssyncset.done $0x0  }
0x92: {  	s11 =	simm.s32 $0x780;
	[sflag:s8] =	ssyncadd.s32 $0xFFFFE000  }
0x93: {  	[tilespmem:s1], [sflag:$0x4] =	stream.indirect.gather [hbm4b:s3+s25], $0x40, s11, s25, $0xb8;
	[tilespmem:$0x8810] =	vst v63  }
0x94: {  	_ =	swait.ge [sflag:s24], $0x2000  }
0x95: {  	[sflag:s24] =	ssyncset.done $0x0  }
0x96: {  	[sflag:s24] =	ssyncadd.s32 $0xFFFFE000  }
0x97: {  	[hbm4b:s19+s2] =	stream.linear.scatter [tilespmem:s28], [sflag:$0x6], $0x2000, $0x38;
	[tilespmem:$0x8810] =	vst v63  }
0x98: {  	_ =	swait.ge [sflag:s0], $0x2000  }
0x99: {  	[sflag:s0] =	ssyncset.done $0x0  }
0x9a: {  	[sflag:s0] =	ssyncadd.s32 $0xFFFFE000  }
0x9b: {  	[hbm4b:s20+s2] =	stream.linear.scatter [tilespmem:s30], [sflag:$0x7], $0x2000, $0x38;
	[tilespmem:$0x8810] =	vst v63  }
0x9c: {  	_ =	swait.ge [sflag:s6], $0x2000  }
0x9d: {  	[sflag:s6] =	ssyncset.done $0x0  }
0x9e: {  	[sflag:s6] =	ssyncadd.s32 $0xFFFFE000  }
0x9f: {  	[hbm4b:s21+s2] =	stream.linear.scatter [tilespmem:s1], [sflag:$0x8], $0x2000, $0x38;
	[tilespmem:$0x8810] =	vst v63  }
0xa0: {  	_ =	swait.ge [sflag:s29], $0x2000  }
0xa1: {  	[sflag:s29] =	ssyncset.done $0x0  }
0xa2: {  	[sflag:s29] =	ssyncadd.s32 $0xFFFFE000  }
0xa3: {  	_ =	swait.ge [sflag:s4], $0x2000  }
0xa4: {  	[sflag:s4] =	ssyncset.done $0x0  }
0xa5: {  	s9 =	sadd.s32 $0x1, s9;
	[sflag:s4] =	ssyncadd.s32 $0xFFFFE000  }
0xa6: {  	p0 =	sne.s32 s9, s22;
	_ =	swait.ge [sflag:s7], $0x2000  }
.Ltmp1:
0xa7: {  	[sflag:s7] =	ssyncset.done $0x0;
	(pc) =	sbr.rel @p0 .LBB2_1-.Ltmp1, $4  }
0xa8: {  	[sflag:s7] =	ssyncadd.s32 $0xFFFFE000  }
0xa9: {  	_ =	swait.ge [sflag:s8], $0x2000  }
0xaa: {  	[sflag:s8] =	ssyncset.done $0x0  }
0xab: {  	[sflag:s8] =	ssyncadd.s32 $0xFFFFE000  }
0xac: {  	_ =	sfence.sel $0x180000  }
0xad: {  	[bflag:$0x0] =	sbarrier.arrive $0xFFFF  }
0xae: {  	_ =	strace $0x90000047  }
0xaf: {  	s0 =	stileid.u32;
	[bflag:$0x2] =	sbarrier.arrive $0xFFFF  }
0xb0: {  	p0 =	sne.s32 s0, $0x0;
	s0 =	rddreg [dreg:$0x2]  }
0xb1: {  	s0 =	sadd.s32 @!p0 $0x100000, s0  }
0xb2: {  	[sflag:s0] =	ssyncadd.tile.s32 @!p0 $0x1;
	_ =	shalt  }
.Lfunc_end2:
_tile_overlayer_lowered:
.L_overlay_start_2:
0xb3: {  	(tag) =	ssettag $0x2  }
0xb4: {  	s0 =	rddreg [dreg:$0x0];
	s2 =	stileid.u32  }
0xb5: {  	s1 =	rddreg [dreg:$0x1];
	p0 =	sne.s32 s2, $0x0  }
0xb6: {  	s3 =	rddreg [dreg:$0x2];
	[bflag:$0x3] =	sbarrier.arrive $0xFFFF;
	s2 =	simm.s32 @!p0 $0x1C09  }
0xb7: {  	[timem:s3], [sflag:s2] =	dma.local @!p0 [hbm:s0], s1  }
0xb8: {  	s0 =	simm.s32 @!p0 $0x9  }
0xb9: {  	_ =	swait.ge @!p0 [sflag:s0], s1  }
0xba: {  	s1 =	ssub.s32 @!p0 $0x0, s1;
	[sflag:s0] =	ssyncset.done @!p0 $0x0  }
0xbb: {  	[sflag:s0] =	ssyncadd.s32 @!p0 s1  }
0xbc: {  	[bflag:$0x3] =	sbarrier.arrive $0xFFFF  }
0xbd: {  	_ =	shalt  }

</sc_bundles>
